<compile_context>
chip_gen: v7x
topology: tpu7x:2x2x1
jax: 0.10.2.dev20260603
libtpu: 0.0.44.dev20260713+nightly
codegen_flags: <defaults>
</compile_context>

<pallas_src>
import functools

import jax
import jax.numpy as jnp
from jax import lax
from jax.experimental import pallas as pl
from jax.experimental.pallas import tpu as pltpu
from jax.experimental.pallas import tpu_sc as plsc

_N = 10000
_N_ORG = 8976
_E = 320000
_E_ORG = 288000
_E_PAD = 32000
_B = 64
_N_PAD = 16
_DIM = 128
_HEADS = 2
_MEM_LEN = 128
_N_ATOM_FEAT = 9
_N_BOND_FEAT = 3
_ATOM_VOCAB = 128
_BOND_VOCAB = 16

_F32 = jnp.float32
_BF16 = jnp.bfloat16

_W_ATOM = 0
_W_BOND = _W_ATOM + _N_ATOM_FEAT * _ATOM_VOCAB
_W_INPROJ = _W_BOND + _N_BOND_FEAT * _BOND_VOCAB
_W_OUTPROJ = _W_INPROJ + 3 * _DIM
_W_FEXT = _W_OUTPROJ + _DIM
_W_TOTAL = _W_FEXT + 2 * _DIM

_ATOM_BLK = 1496


def _wfull():
    return pl.BlockSpec((_W_TOTAL, _DIM), lambda i: (0, 0))


def _atom_body(x_ref, w_ref, o_ref):
    xb = x_ref[...]
    iota = lax.broadcasted_iota(jnp.int32, (_ATOM_BLK, _ATOM_VOCAB), 1)
    acc = jnp.zeros((_ATOM_BLK, _DIM), _F32)
    for f in range(_N_ATOM_FEAT):
        oh = (xb[:, f][:, None] == iota).astype(_BF16)
        emb = w_ref[_W_ATOM + f * _ATOM_VOCAB:_W_ATOM + (f + 1) * _ATOM_VOCAB]
        acc = acc + jnp.dot(oh, emb, preferred_element_type=_F32)
    o_ref[...] = acc


def _atom_encode(x, wpack):
    grid = _N_ORG // _ATOM_BLK
    return pl.pallas_call(
        _atom_body,
        grid=(grid,),
        in_specs=[
            pl.BlockSpec((_ATOM_BLK, _N_ATOM_FEAT), lambda i: (i, 0)),
            _wfull(),
        ],
        out_specs=pl.BlockSpec((_ATOM_BLK, _DIM), lambda i: (i, 0)),
        out_shape=jax.ShapeDtypeStruct((_N_ORG, _DIM), _F32),
    )(x, wpack)


_ATTN_G = 32


def _tdot(a, b):
    return lax.dot_general(a, b, (((1,), (1,)), ((), ())),
                           preferred_element_type=_F32)


def _attn_body(mem_ref, q_ref, w_ref, b_ref, ob_ref, et_ref, o_ref):
    dh = _DIM // _HEADS
    scale = 1.0 / (dh ** 0.5)
    wi = _W_INPROJ
    Q = _tdot(q_ref[0].astype(_BF16), w_ref[wi:wi + _DIM]) + b_ref[0:1]
    mem = mem_ref[...].reshape(_ATTN_G * _MEM_LEN, _DIM).astype(_BF16)
    K = _tdot(mem, w_ref[wi + _DIM:wi + 2 * _DIM]) + b_ref[1:2]
    V = _tdot(mem, w_ref[wi + 2 * _DIM:wi + 3 * _DIM]) + b_ref[2:3]
    Qb = (Q * scale).astype(_BF16)
    Kb = K.astype(_BF16)
    Vb = V.astype(_BF16)
    parts = []
    for h in range(_HEADS):
        Qh = Qb[:, h * dh:(h + 1) * dh]
        Kh = Kb[:, h * dh:(h + 1) * dh]
        P = jnp.exp(_tdot(Qh, Kh)).astype(_BF16)
        denom = _tdot(P, et_ref[...])
        outs_h = []
        for g in range(_ATTN_G):
            Pg = P[:, g * _MEM_LEN:(g + 1) * _MEM_LEN]
            Vg = Vb[g * _MEM_LEN:(g + 1) * _MEM_LEN, h * dh:(h + 1) * dh]
            Og = jnp.dot(Pg, Vg, preferred_element_type=_F32)
            outs_h.append(Og / denom[:, g:g + 1])
        parts.append(jnp.concatenate(outs_h, axis=0))
    O = jnp.concatenate(parts, axis=1).astype(_BF16)
    out = _tdot(O, w_ref[_W_OUTPROJ:_W_OUTPROJ + _DIM]) + ob_ref[...]
    o_ref[...] = out.reshape(_ATTN_G, _N_PAD, _DIM)


def _attn_encode(memory, Qemb, wpack, in_b3, ob, et):
    grid = _B // _ATTN_G
    full = lambda shape: pl.BlockSpec(shape, lambda i: tuple(0 for _ in shape))
    return pl.pallas_call(
        _attn_body,
        grid=(grid,),
        in_specs=[
            pl.BlockSpec((_ATTN_G, _MEM_LEN, _DIM), lambda i: (i, 0, 0)),
            full((1, _N_PAD, _DIM)),
            _wfull(), full((3, _DIM)), full((1, _DIM)),
            full((_ATTN_G, _ATTN_G * _MEM_LEN)),
        ],
        out_specs=pl.BlockSpec((_ATTN_G, _N_PAD, _DIM), lambda i: (i, 0, 0)),
        out_shape=jax.ShapeDtypeStruct((_B, _N_PAD, _DIM), _F32),
    )(memory, Qemb, wpack, in_b3, ob, et)


_P_BLK = 5000


def _proj_body(nf_ref, w_ref, b1_ref, p1_ref, p2_ref):
    h = jnp.maximum(nf_ref[...], 0.0).astype(_BF16)
    p1_ref[...] = jnp.dot(h, w_ref[_W_FEXT:_W_FEXT + _DIM],
                          preferred_element_type=_F32) + b1_ref[...]
    p2_ref[...] = jnp.dot(h, w_ref[_W_FEXT + _DIM:_W_FEXT + 2 * _DIM],
                          preferred_element_type=_F32)


def _proj_nodes(node_feat, wpack, b1):
    grid = _N // _P_BLK
    full = lambda shape: pl.BlockSpec(shape, lambda i: tuple(0 for _ in shape))
    return pl.pallas_call(
        _proj_body,
        grid=(grid,),
        in_specs=[
            pl.BlockSpec((_P_BLK, _DIM), lambda i: (i, 0)),
            _wfull(), full((1, _DIM)),
        ],
        out_specs=[pl.BlockSpec((_P_BLK, _DIM), lambda i: (i, 0))] * 2,
        out_shape=[jax.ShapeDtypeStruct((_N, _DIM), _F32)] * 2,
    )(node_feat, wpack, b1)


_SC_CORES = 2
_SC_SUBCORES = 16
_SC_WORKERS = _SC_CORES * _SC_SUBCORES
_ROWS_PER_W = _E_PAD // _SC_WORKERS


_SC_CHUNKS = ((0, 504), (504, 496))


@functools.cache
def _make_sc_gather():
    @functools.partial(
        pl.kernel,
        mesh=plsc.VectorSubcoreMesh(core_axis_name="c", subcore_axis_name="s"),
        out_type=jax.ShapeDtypeStruct((_E_PAD, _DIM), _F32),
        scratch_types=[pltpu.VMEM((504,), jnp.int32),
                       pltpu.VMEM((504,), jnp.int32),
                       pltpu.VMEM((504, _DIM), _F32),
                       pltpu.VMEM((504, _DIM), _F32),
                       pltpu.SemaphoreType.DMA],
    )
    def sc_gather(p1_hbm, p2_hbm, ridx_hbm, cidx_hbm, gs_hbm,
                  idx_a, idx_b, rows_a, rows_b, sem):
        wid = lax.axis_index("s") * _SC_CORES + lax.axis_index("c")
        base = wid * _ROWS_PER_W
        for off, cnt in _SC_CHUNKS:
            pltpu.sync_copy(ridx_hbm.at[pl.ds(base + off, cnt)],
                            idx_a.at[pl.ds(0, cnt)])
            pltpu.sync_copy(cidx_hbm.at[pl.ds(base + off, cnt)],
                            idx_b.at[pl.ds(0, cnt)])
            ca = pltpu.async_copy(p1_hbm.at[idx_a.at[pl.ds(0, cnt)]],
                                  rows_a.at[pl.ds(0, cnt)], sem)
            cb = pltpu.async_copy(p2_hbm.at[idx_b.at[pl.ds(0, cnt)]],
                                  rows_b.at[pl.ds(0, cnt)], sem)
            ca.wait()
            cb.wait()

            def add_row(r, carry):
                for c in range(_DIM // 16):
                    sl = pl.ds(c * 16, 16)
                    rows_a[r, sl] = rows_a[r, sl] + rows_b[r, sl]
                return carry

            lax.fori_loop(0, cnt, add_row, 0)
            pltpu.sync_copy(rows_a.at[pl.ds(0, cnt)],
                            gs_hbm.at[pl.ds(base + off, cnt)])

    return sc_gather


def _sc_gather(p1, p2, ridx, cidx):
    return _make_sc_gather()(p1, p2, ridx, cidx)


_BOND_BLK = 19200
_BOND_BLOCKS = _E_ORG // _BOND_BLK
_EDGE_BLK = 8000
_EDGE_ORG_BLOCKS = _E_ORG // _EDGE_BLK
_EDGE_PAD_BLOCKS = _E_PAD // _EDGE_BLK


def _bond_body(ea_ref, w_ref, o_ref):
    a = ea_ref[...]
    iota = lax.broadcasted_iota(jnp.int32, (_BOND_VOCAB, _BOND_BLK), 0)
    ohs = [(a[f:f + 1, :] == iota).astype(_BF16) for f in range(_N_BOND_FEAT)]
    ohT = jnp.concatenate(ohs, axis=0)
    be = w_ref[_W_BOND:_W_BOND + _N_BOND_FEAT * _BOND_VOCAB]
    o_ref[...] = lax.dot_general(ohT, be, (((0,), (0,)), ((), ())),
                                 preferred_element_type=_F32)


def _bond_encode(eaT, wpack):
    return pl.pallas_call(
        _bond_body,
        grid=(_BOND_BLOCKS,),
        in_specs=[
            pl.BlockSpec((_N_BOND_FEAT, _BOND_BLK), lambda i: (0, i)),
            _wfull(),
        ],
        out_specs=pl.BlockSpec((_BOND_BLK, _DIM), lambda i: (i, 0)),
        out_shape=jax.ShapeDtypeStruct((_E, _DIM), _F32),
    )(eaT, wpack)


def _pad_edge_body(gs_ref, big_ref, o_ref):
    del big_ref
    o_ref[...] = gs_ref[...]


def _pad_edge_write(gs, big):
    nb = _EDGE_ORG_BLOCKS
    return pl.pallas_call(
        _pad_edge_body,
        grid=(_EDGE_PAD_BLOCKS,),
        in_specs=[
            pl.BlockSpec((_EDGE_BLK, _DIM), lambda i: (i, 0)),
            pl.BlockSpec(memory_space=pl.ANY),
        ],
        out_specs=pl.BlockSpec((_EDGE_BLK, _DIM), lambda i: (nb + i, 0)),
        out_shape=jax.ShapeDtypeStruct((_E, _DIM), _F32),
        input_output_aliases={1: 0},
    )(gs, big)


def kernel(x, batch, n_org_mask, n_pad_mask, edge_index, edge_attr,
           e_org_mask, e_pad_mask, memory, mem_pad_mask, Qemb, atom_emb,
           bond_emb, in_proj_w, in_proj_b, out_proj_w, out_proj_b,
           feat_ext_w, feat_ext_b):
    wpack = jnp.concatenate(
        [atom_emb.reshape(-1, _DIM), bond_emb.reshape(-1, _DIM),
         in_proj_w, out_proj_w, feat_ext_w.T], axis=0).astype(_BF16)

    org_node = _atom_encode(x.astype(jnp.int32), wpack)

    et = jnp.repeat(jnp.eye(_ATTN_G, dtype=_BF16), _MEM_LEN, axis=1)
    pad_node = _attn_encode(memory, Qemb, wpack,
                            in_proj_b.reshape(3, _DIM),
                            out_proj_b.reshape(1, _DIM), et)

    node_feat = jnp.concatenate([org_node, pad_node.reshape(-1, _DIM)], axis=0)

    p1, p2 = _proj_nodes(node_feat, wpack, feat_ext_b.reshape(1, _DIM))

    ridx = edge_index[0, _E_ORG:].astype(jnp.int32)
    cidx = edge_index[1, _E_ORG:].astype(jnp.int32)
    gs = _sc_gather(p1, p2, ridx, cidx)

    big = _bond_encode(edge_attr.astype(jnp.int32).T, wpack)
    edge_feat = _pad_edge_write(gs, big)
    return (node_feat, edge_feat)

# --- scband reference (transcript-rebuilt; emitter-appended) ---
"""Pipeline reference for scband-feat-init-20882130993767 (READ-ONLY COPY).

The authoritative reference and input builder live on the scoring server;
editing this copy changes nothing except your own understanding.
"""

import jax, jax.numpy as jnp
import numpy as np

N = 10000; N_ORG = 8976; N_PAD_TOTAL = 1024
E = 320000; E_ORG = 288000; E_PAD = 32000
B = 64; N_PAD = 16; DIM = 128; HEADS = 2; MEM_LEN = 128
N_ATOM_FEAT = 9; N_BOND_FEAT = 3; ATOM_VOCAB = 128; BOND_VOCAB = 16


def setup_inputs(seed: int = 0) -> dict:
    key = jax.random.key(seed)
    ks = jax.random.split(key, 14)
    x = jax.random.randint(ks[0], (N_ORG, N_ATOM_FEAT), 0, 100)
    # guarantee batch.max()+1 == B
    batch = jnp.sort(jnp.concatenate([jnp.arange(B, dtype=jnp.int64) if False else jnp.arange(B), jax.random.randint(ks[1], (N - B,), 0, B)]))
    n_org_mask = jnp.concatenate([jnp.ones(N_ORG, dtype=bool), jnp.zeros(N_PAD_TOTAL, dtype=bool)])
    n_pad_mask = jnp.logical_not(n_org_mask)
    edge_index = jax.random.randint(ks[2], (2, E), 0, N)
    edge_attr = jax.random.randint(ks[3], (E_ORG, N_BOND_FEAT), 0, 5)
    e_org_mask = jnp.concatenate([jnp.ones(E_ORG, dtype=bool), jnp.zeros(E_PAD, dtype=bool)])
    e_pad_mask = jnp.logical_not(e_org_mask)
    memory = jax.random.normal(ks[4], (B, MEM_LEN, DIM), dtype=jnp.float32)
    mem_pad_mask = jnp.zeros((B, MEM_LEN), dtype=bool)
    Qemb = jax.random.normal(ks[5], (1, N_PAD, DIM), dtype=jnp.float32)
    atom_emb = 0.02 * jax.random.normal(ks[6], (N_ATOM_FEAT, ATOM_VOCAB, DIM), dtype=jnp.float32)
    bond_emb = 0.02 * jax.random.normal(ks[7], (N_BOND_FEAT, BOND_VOCAB, DIM), dtype=jnp.float32)
    in_proj_w = 0.05 * jax.random.normal(ks[8], (3 * DIM, DIM), dtype=jnp.float32)
    in_proj_b = jnp.zeros((3 * DIM,), dtype=jnp.float32)
    out_proj_w = 0.05 * jax.random.normal(ks[9], (DIM, DIM), dtype=jnp.float32)
    out_proj_b = jnp.zeros((DIM,), dtype=jnp.float32)
    feat_ext_w = 0.05 * jax.random.normal(ks[10], (DIM, 2 * DIM), dtype=jnp.float32)
    feat_ext_b = jnp.zeros((DIM,), dtype=jnp.float32)
    return {"x": x, "batch": batch, "n_org_mask": n_org_mask, "n_pad_mask": n_pad_mask,
            "edge_index": edge_index, "edge_attr": edge_attr, "e_org_mask": e_org_mask,
            "e_pad_mask": e_pad_mask, "memory": memory, "mem_pad_mask": mem_pad_mask,
            "Qemb": Qemb, "atom_emb": atom_emb, "bond_emb": bond_emb,
            "in_proj_w": in_proj_w, "in_proj_b": in_proj_b,
            "out_proj_w": out_proj_w, "out_proj_b": out_proj_b,
            "feat_ext_w": feat_ext_w, "feat_ext_b": feat_ext_b}


def _mha(q, kv, in_proj_w, in_proj_b, out_proj_w, out_proj_b, key_pad_mask, heads):
    dim = q.shape[-1]
    wq, wk, wv = in_proj_w[:dim], in_proj_w[dim:2 * dim], in_proj_w[2 * dim:]
    bq, bk, bv = in_proj_b[:dim], in_proj_b[dim:2 * dim], in_proj_b[2 * dim:]
    Q = q @ wq.T + bq
    K = kv @ wk.T + bk
    V = kv @ wv.T + bv
    Bsz, Lq = Q.shape[0], Q.shape[1]
    Lk = K.shape[1]
    dh = dim // heads
    Q = Q.reshape(Bsz, Lq, heads, dh).transpose(0, 2, 1, 3)
    K = K.reshape(Bsz, Lk, heads, dh).transpose(0, 2, 1, 3)
    V = V.reshape(Bsz, Lk, heads, dh).transpose(0, 2, 1, 3)
    scores = (Q @ K.transpose(0, 1, 3, 2)) / jnp.sqrt(dh).astype(Q.dtype)
    scores = jnp.where(key_pad_mask[:, None, None, :], jnp.float32(-1e9), scores)
    attn = jax.nn.softmax(scores, axis=-1)
    out = (attn @ V).transpose(0, 2, 1, 3).reshape(Bsz, Lq, dim)
    return out @ out_proj_w.T + out_proj_b


def reference(x, batch, n_org_mask, n_pad_mask, edge_index, edge_attr, e_org_mask, e_pad_mask,
              memory, mem_pad_mask, Qemb, atom_emb, bond_emb, in_proj_w, in_proj_b,
              out_proj_w, out_proj_b, feat_ext_w, feat_ext_b):
    batch_size = B
    batch_size_traced = batch.max() + 1
    # atom encoder (OGB-style sum of per-feature embeddings) -> scatter into org node slots
    node_feat = jnp.zeros((N, DIM), dtype=jnp.float32)
    org_node_feat = jnp.sum(atom_emb[jnp.arange(N_ATOM_FEAT)[None, :], x], axis=1)
    idx_org = jnp.nonzero(n_org_mask, size=N_ORG)[0]
    node_feat = node_feat.at[idx_org].set(org_node_feat)
    # pad node features from cross-attention over memory
    Qval = jnp.tile(Qemb, (batch_size, 1, 1))
    Qval = jnp.where(batch_size_traced == batch_size, Qval, Qval)
    pad_node_feat = _mha(Qval, memory, in_proj_w, in_proj_b, out_proj_w, out_proj_b, mem_pad_mask, HEADS)
    idx_pad = jnp.nonzero(n_pad_mask, size=N_PAD_TOTAL)[0]
    node_feat = node_feat.at[idx_pad].set(pad_node_feat.reshape(-1, DIM))
    # bond encoder -> scatter into org edge slots
    edge_feat = jnp.zeros((E, DIM), dtype=jnp.float32)
    org_edge_feat = jnp.sum(bond_emb[jnp.arange(N_BOND_FEAT)[None, :], edge_attr], axis=1)
    idx_eorg = jnp.nonzero(e_org_mask, size=E_ORG)[0]
    edge_feat = edge_feat.at[idx_eorg].set(org_edge_feat)
    # pad edge features from endpoint node features
    idx_epad = jnp.nonzero(e_pad_mask, size=E_PAD)[0]
    row = edge_index[0, idx_epad]
    col = edge_index[1, idx_epad]
    h = jax.nn.relu(jnp.concatenate([node_feat[row], node_feat[col]], axis=-1))
    pad_edge_feat = h @ feat_ext_w.T + feat_ext_b
    edge_feat = edge_feat.at[idx_epad].set(pad_edge_feat)
    return (node_feat, edge_feat)

if __name__ == "__main__":
    import jax
    _d = setup_inputs()
    print(jax.jit(kernel)(*tuple(_d.values())))

</pallas_src>

<mosaic_0001>
#map = affine_map<(d0, d1) -> (0, 0)>
#map1 = affine_map<(d0, d1) -> (0)>
module attributes {stable_mosaic.version = 14 : i64} {
  func.func @sc_gather(%arg0: i32, %arg1: i32, %arg2: memref<10000x128xf32, #tpu.memory_space<hbm>>, %arg3: memref<10000x128xf32, #tpu.memory_space<hbm>>, %arg4: memref<32000xi32, #tpu.memory_space<hbm>>, %arg5: memref<32000xi32, #tpu.memory_space<hbm>>, %arg6: memref<32000x128xf32, #tpu.memory_space<hbm>>, %arg7: memref<504xi32, #tpu.memory_space<vmem>>, %arg8: memref<504xi32, #tpu.memory_space<vmem>>, %arg9: memref<504x128xf32, #tpu.memory_space<vmem>>, %arg10: memref<504x128xf32, #tpu.memory_space<vmem>>, %arg11: memref<!tpu.dma_semaphore, #tpu.memory_space<semaphore_mem>>) attributes {dimension_semantics = [#tpu.dimension_semantics<core_parallel>, #tpu.dimension_semantics<subcore_parallel>], iteration_bounds = array<i64: 2, 16>, scalar_prefetch = 0 : i64, scratch_operands = 5 : i64, tpu.core_type = #tpu.core_type<sc_vector_subcore>, window_params = [{transform_indices = #map}, {transform_indices = #map}, {transform_indices = #map1}, {transform_indices = #map1}, {transform_indices = #map}]} {
    %mul3A = arith.constant 2 : i32
    %mul3A_0 = arith.muli %arg1, %mul3A : i32
    %add3A = arith.addi %mul3A_0, %arg0 : i32
    %mul3A_1 = arith.constant 1000 : i32
    %mul3A_2 = arith.muli %add3A, %mul3A_1 : i32
    %add3A_3 = arith.constant 0 : i32
    %add3A_4 = arith.addi %mul3A_2, %add3A_3 : i32
    "tpu.region"() ({
      %run_scoped3A = tpu.sem_alloc : memref<!tpu.dma_semaphore, #tpu.memory_space<semaphore_mem>>
      %dma_start3A_88 = arith.constant 0 : i32
      %dma_start3A_89 = tpu.memref_slice %arg7[%dma_start3A_88] : memref<504xi32, #tpu.memory_space<vmem>> -> memref<504xi32, #tpu.memory_space<vmem>>
      %dma_start3A_90 = tpu.memref_slice %arg4[%add3A_4] : memref<32000xi32, #tpu.memory_space<hbm>> -> memref<504xi32, #tpu.memory_space<hbm>>
      %dma_start3A_91 = arith.constant 0 : i32
      %dma_start3A_92 = tpu.memref_slice %arg7[%dma_start3A_91] : memref<504xi32, #tpu.memory_space<vmem>> -> memref<504xi32, #tpu.memory_space<vmem>>
      %dma_start3A_93 = tpu.memref_slice %arg4[%add3A_4] : memref<32000xi32, #tpu.memory_space<hbm>> -> memref<504xi32, #tpu.memory_space<hbm>>
      tpu.enqueue_dma source(%dma_start3A_93 : memref<504xi32, #tpu.memory_space<hbm>>) target(%dma_start3A_92 : memref<504xi32, #tpu.memory_space<vmem>>) target_semaphore(%run_scoped3A : memref<!tpu.dma_semaphore, #tpu.memory_space<semaphore_mem>>)
      %dma_wait3A_94 = arith.constant 0 : i32
      %dma_wait3A_95 = tpu.memref_slice %arg7[%dma_wait3A_94] : memref<504xi32, #tpu.memory_space<vmem>> -> memref<504xi32, #tpu.memory_space<vmem>>
      %dma_wait3A_96 = tpu.memref_slice %arg4[%add3A_4] : memref<32000xi32, #tpu.memory_space<hbm>> -> memref<504xi32, #tpu.memory_space<hbm>>
      %dma_wait3A_97 = arith.constant 0 : i32
      %dma_wait3A_98 = tpu.memref_slice %arg7[%dma_wait3A_97] : memref<504xi32, #tpu.memory_space<vmem>> -> memref<504xi32, #tpu.memory_space<vmem>>
      %dma_wait3A_99 = tpu.memref_slice %arg4[%add3A_4] : memref<32000xi32, #tpu.memory_space<hbm>> -> memref<504xi32, #tpu.memory_space<hbm>>
      tpu.wait_dma2 semaphore(%run_scoped3A : memref<!tpu.dma_semaphore, #tpu.memory_space<semaphore_mem>>) src(%dma_wait3A_99 : memref<504xi32, #tpu.memory_space<hbm>>) dst(%dma_wait3A_98 : memref<504xi32, #tpu.memory_space<vmem>>)
      tpu.yield
    }) : () -> ()
    %add3A_5 = arith.constant 0 : i32
    %add3A_6 = arith.addi %mul3A_2, %add3A_5 : i32
    "tpu.region"() ({
      %run_scoped3A = tpu.sem_alloc : memref<!tpu.dma_semaphore, #tpu.memory_space<semaphore_mem>>
      %dma_start3A_88 = arith.constant 0 : i32
      %dma_start3A_89 = tpu.memref_slice %arg8[%dma_start3A_88] : memref<504xi32, #tpu.memory_space<vmem>> -> memref<504xi32, #tpu.memory_space<vmem>>
      %dma_start3A_90 = tpu.memref_slice %arg5[%add3A_6] : memref<32000xi32, #tpu.memory_space<hbm>> -> memref<504xi32, #tpu.memory_space<hbm>>
      %dma_start3A_91 = arith.constant 0 : i32
      %dma_start3A_92 = tpu.memref_slice %arg8[%dma_start3A_91] : memref<504xi32, #tpu.memory_space<vmem>> -> memref<504xi32, #tpu.memory_space<vmem>>
      %dma_start3A_93 = tpu.memref_slice %arg5[%add3A_6] : memref<32000xi32, #tpu.memory_space<hbm>> -> memref<504xi32, #tpu.memory_space<hbm>>
      tpu.enqueue_dma source(%dma_start3A_93 : memref<504xi32, #tpu.memory_space<hbm>>) target(%dma_start3A_92 : memref<504xi32, #tpu.memory_space<vmem>>) target_semaphore(%run_scoped3A : memref<!tpu.dma_semaphore, #tpu.memory_space<semaphore_mem>>)
      %dma_wait3A_94 = arith.constant 0 : i32
      %dma_wait3A_95 = tpu.memref_slice %arg8[%dma_wait3A_94] : memref<504xi32, #tpu.memory_space<vmem>> -> memref<504xi32, #tpu.memory_space<vmem>>
      %dma_wait3A_96 = tpu.memref_slice %arg5[%add3A_6] : memref<32000xi32, #tpu.memory_space<hbm>> -> memref<504xi32, #tpu.memory_space<hbm>>
      %dma_wait3A_97 = arith.constant 0 : i32
      %dma_wait3A_98 = tpu.memref_slice %arg8[%dma_wait3A_97] : memref<504xi32, #tpu.memory_space<vmem>> -> memref<504xi32, #tpu.memory_space<vmem>>
      %dma_wait3A_99 = tpu.memref_slice %arg5[%add3A_6] : memref<32000xi32, #tpu.memory_space<hbm>> -> memref<504xi32, #tpu.memory_space<hbm>>
      tpu.wait_dma2 semaphore(%run_scoped3A : memref<!tpu.dma_semaphore, #tpu.memory_space<semaphore_mem>>) src(%dma_wait3A_99 : memref<504xi32, #tpu.memory_space<hbm>>) dst(%dma_wait3A_98 : memref<504xi32, #tpu.memory_space<vmem>>)
      tpu.yield
    }) : () -> ()
    %dma_start3A = arith.constant 0 : i32
    %dma_start3A_7 = arith.constant 0 : i32
    %dma_start3A_8 = tpu.memref_slice %arg9[%dma_start3A, %dma_start3A_7] : memref<504x128xf32, #tpu.memory_space<vmem>> -> memref<504x128xf32, #tpu.memory_space<vmem>>
    %dma_start3A_9 = arith.constant 0 : i32
    %dma_start3A_10 = tpu.memref_slice %arg7[%dma_start3A_9] : memref<504xi32, #tpu.memory_space<vmem>> -> memref<504xi32, #tpu.memory_space<vmem>>
    %dma_start3A_11 = arith.constant 0 : i32
    %dma_start3A_12 = arith.constant 0 : i32
    %dma_start3A_13 = tpu.memref_slice %arg2[%dma_start3A_11, %dma_start3A_12] : memref<10000x128xf32, #tpu.memory_space<hbm>> -> memref<10000x128xf32, #tpu.memory_space<hbm>>
    tpu.enqueue_indirect_dma source(%dma_start3A_13 : memref<10000x128xf32, #tpu.memory_space<hbm>>) target(%dma_start3A_8 : memref<504x128xf32, #tpu.memory_space<vmem>>) offsets(%dma_start3A_10 : memref<504xi32, #tpu.memory_space<vmem>>) semaphore(%arg11 : memref<!tpu.dma_semaphore, #tpu.memory_space<semaphore_mem>>)
    %dma_start3A_14 = arith.constant 0 : i32
    %dma_start3A_15 = arith.constant 0 : i32
    %dma_start3A_16 = tpu.memref_slice %arg10[%dma_start3A_14, %dma_start3A_15] : memref<504x128xf32, #tpu.memory_space<vmem>> -> memref<504x128xf32, #tpu.memory_space<vmem>>
    %dma_start3A_17 = arith.constant 0 : i32
    %dma_start3A_18 = tpu.memref_slice %arg8[%dma_start3A_17] : memref<504xi32, #tpu.memory_space<vmem>> -> memref<504xi32, #tpu.memory_space<vmem>>
    %dma_start3A_19 = arith.constant 0 : i32
    %dma_start3A_20 = arith.constant 0 : i32
    %dma_start3A_21 = tpu.memref_slice %arg3[%dma_start3A_19, %dma_start3A_20] : memref<10000x128xf32, #tpu.memory_space<hbm>> -> memref<10000x128xf32, #tpu.memory_space<hbm>>
    tpu.enqueue_indirect_dma source(%dma_start3A_21 : memref<10000x128xf32, #tpu.memory_space<hbm>>) target(%dma_start3A_16 : memref<504x128xf32, #tpu.memory_space<vmem>>) offsets(%dma_start3A_18 : memref<504xi32, #tpu.memory_space<vmem>>) semaphore(%arg11 : memref<!tpu.dma_semaphore, #tpu.memory_space<semaphore_mem>>)
    %dma_wait3A = arith.constant 0 : i32
    %dma_wait3A_22 = arith.constant 0 : i32
    %dma_wait3A_23 = tpu.memref_slice %arg9[%dma_wait3A, %dma_wait3A_22] : memref<504x128xf32, #tpu.memory_space<vmem>> -> memref<504x128xf32, #tpu.memory_space<vmem>>
    %dma_wait3A_24 = arith.constant 0 : i32
    %dma_wait3A_25 = tpu.memref_slice %arg7[%dma_wait3A_24] : memref<504xi32, #tpu.memory_space<vmem>> -> memref<504xi32, #tpu.memory_space<vmem>>
    %dma_wait3A_26 = arith.constant 0 : i32
    %dma_wait3A_27 = arith.constant 0 : i32
    %dma_wait3A_28 = tpu.memref_slice %arg2[%dma_wait3A_26, %dma_wait3A_27] : memref<10000x128xf32, #tpu.memory_space<hbm>> -> memref<10000x128xf32, #tpu.memory_space<hbm>>
    tpu.wait_indirect_dma semaphore(%arg11 : memref<!tpu.dma_semaphore, #tpu.memory_space<semaphore_mem>>) src(%dma_wait3A_28 : memref<10000x128xf32, #tpu.memory_space<hbm>>) dst(%dma_wait3A_23 : memref<504x128xf32, #tpu.memory_space<vmem>>)
    %dma_wait3A_29 = arith.constant 0 : i32
    %dma_wait3A_30 = arith.constant 0 : i32
    %dma_wait3A_31 = tpu.memref_slice %arg10[%dma_wait3A_29, %dma_wait3A_30] : memref<504x128xf32, #tpu.memory_space<vmem>> -> memref<504x128xf32, #tpu.memory_space<vmem>>
    %dma_wait3A_32 = arith.constant 0 : i32
    %dma_wait3A_33 = tpu.memref_slice %arg8[%dma_wait3A_32] : memref<504xi32, #tpu.memory_space<vmem>> -> memref<504xi32, #tpu.memory_space<vmem>>
    %dma_wait3A_34 = arith.constant 0 : i32
    %dma_wait3A_35 = arith.constant 0 : i32
    %dma_wait3A_36 = tpu.memref_slice %arg3[%dma_wait3A_34, %dma_wait3A_35] : memref<10000x128xf32, #tpu.memory_space<hbm>> -> memref<10000x128xf32, #tpu.memory_space<hbm>>
    tpu.wait_indirect_dma semaphore(%arg11 : memref<!tpu.dma_semaphore, #tpu.memory_space<semaphore_mem>>) src(%dma_wait3A_36 : memref<10000x128xf32, #tpu.memory_space<hbm>>) dst(%dma_wait3A_31 : memref<504x128xf32, #tpu.memory_space<vmem>>)
    %scan3A = arith.constant 0 : i32
    %scan3A_37 = arith.constant 0 : i32
    %scan3A_38 = arith.constant 504 : i32
    %scan3A_39 = arith.addi %scan3A_37, %scan3A_38 : i32
    %scan3A_40 = arith.constant 1 : i32
    scf.for %scan3A_88 = %scan3A_37 to %scan3A_39 step %scan3A_40  : i32 {
      %get3A = arith.index_cast %scan3A_88 : i32 to index
      %get3A_89 = arith.constant 0 : index
      %get3A_90 = tpu.vector_load %arg9[%get3A, %get3A_89] {strides = array<i32>} : memref<504x128xf32, #tpu.memory_space<vmem>>, vector<1x16xf32>,
      %get3A_91 = vector.shape_cast %get3A_90 : vector<1x16xf32> to vector<16xf32>
      %get3A_92 = arith.index_cast %scan3A_88 : i32 to index
      %get3A_93 = arith.constant 0 : index
      %get3A_94 = tpu.vector_load %arg10[%get3A_92, %get3A_93] {strides = array<i32>} : memref<504x128xf32, #tpu.memory_space<vmem>>, vector<1x16xf32>,
      %get3A_95 = vector.shape_cast %get3A_94 : vector<1x16xf32> to vector<16xf32>
      %add3A_96 = arith.addf %get3A_91, %get3A_95 : vector<16xf32>
      %swap3A = arith.index_cast %scan3A_88 : i32 to index
      %swap3A_97 = arith.constant 0 : index
      %swap3A_98 = tpu.vector_load %arg9[%swap3A, %swap3A_97] {strides = array<i32>} : memref<504x128xf32, #tpu.memory_space<vmem>>, vector<1x16xf32>,
      %swap3A_99 = vector.shape_cast %swap3A_98 : vector<1x16xf32> to vector<16xf32>
      %swap3A_100 = vector.shape_cast %add3A_96 : vector<16xf32> to vector<1x16xf32>
      tpu.vector_store %arg9[%swap3A, %swap3A_97], %swap3A_100 {strides = array<i32>} : memref<504x128xf32, #tpu.memory_space<vmem>>, vector<1x16xf32>,
      %get3A_101 = arith.index_cast %scan3A_88 : i32 to index
      %get3A_102 = arith.constant 16 : index
      %get3A_103 = tpu.vector_load %arg9[%get3A_101, %get3A_102] {strides = array<i32>} : memref<504x128xf32, #tpu.memory_space<vmem>>, vector<1x16xf32>,
      %get3A_104 = vector.shape_cast %get3A_103 : vector<1x16xf32> to vector<16xf32>
      %get3A_105 = arith.index_cast %scan3A_88 : i32 to index
      %get3A_106 = arith.constant 16 : index
      %get3A_107 = tpu.vector_load %arg10[%get3A_105, %get3A_106] {strides = array<i32>} : memref<504x128xf32, #tpu.memory_space<vmem>>, vector<1x16xf32>,
      %get3A_108 = vector.shape_cast %get3A_107 : vector<1x16xf32> to vector<16xf32>
      %add3A_109 = arith.addf %get3A_104, %get3A_108 : vector<16xf32>
      %swap3A_110 = arith.index_cast %scan3A_88 : i32 to index
      %swap3A_111 = arith.constant 16 : index
      %swap3A_112 = tpu.vector_load %arg9[%swap3A_110, %swap3A_111] {strides = array<i32>} : memref<504x128xf32, #tpu.memory_space<vmem>>, vector<1x16xf32>,
      %swap3A_113 = vector.shape_cast %swap3A_112 : vector<1x16xf32> to vector<16xf32>
      %swap3A_114 = vector.shape_cast %add3A_109 : vector<16xf32> to vector<1x16xf32>
      tpu.vector_store %arg9[%swap3A_110, %swap3A_111], %swap3A_114 {strides = array<i32>} : memref<504x128xf32, #tpu.memory_space<vmem>>, vector<1x16xf32>,
      %get3A_115 = arith.index_cast %scan3A_88 : i32 to index
      %get3A_116 = arith.constant 32 : index
      %get3A_117 = tpu.vector_load %arg9[%get3A_115, %get3A_116] {strides = array<i32>} : memref<504x128xf32, #tpu.memory_space<vmem>>, vector<1x16xf32>,
      %get3A_118 = vector.shape_cast %get3A_117 : vector<1x16xf32> to vector<16xf32>
      %get3A_119 = arith.index_cast %scan3A_88 : i32 to index
      %get3A_120 = arith.constant 32 : index
      %get3A_121 = tpu.vector_load %arg10[%get3A_119, %get3A_120] {strides = array<i32>} : memref<504x128xf32, #tpu.memory_space<vmem>>, vector<1x16xf32>,
      %get3A_122 = vector.shape_cast %get3A_121 : vector<1x16xf32> to vector<16xf32>
      %add3A_123 = arith.addf %get3A_118, %get3A_122 : vector<16xf32>
      %swap3A_124 = arith.index_cast %scan3A_88 : i32 to index
      %swap3A_125 = arith.constant 32 : index
      %swap3A_126 = tpu.vector_load %arg9[%swap3A_124, %swap3A_125] {strides = array<i32>} : memref<504x128xf32, #tpu.memory_space<vmem>>, vector<1x16xf32>,
      %swap3A_127 = vector.shape_cast %swap3A_126 : vector<1x16xf32> to vector<16xf32>
      %swap3A_128 = vector.shape_cast %add3A_123 : vector<16xf32> to vector<1x16xf32>
      tpu.vector_store %arg9[%swap3A_124, %swap3A_125], %swap3A_128 {strides = array<i32>} : memref<504x128xf32, #tpu.memory_space<vmem>>, vector<1x16xf32>,
      %get3A_129 = arith.index_cast %scan3A_88 : i32 to index
      %get3A_130 = arith.constant 48 : index
      %get3A_131 = tpu.vector_load %arg9[%get3A_129, %get3A_130] {strides = array<i32>} : memref<504x128xf32, #tpu.memory_space<vmem>>, vector<1x16xf32>,
      %get3A_132 = vector.shape_cast %get3A_131 : vector<1x16xf32> to vector<16xf32>
      %get3A_133 = arith.index_cast %scan3A_88 : i32 to index
      %get3A_134 = arith.constant 48 : index
      %get3A_135 = tpu.vector_load %arg10[%get3A_133, %get3A_134] {strides = array<i32>} : memref<504x128xf32, #tpu.memory_space<vmem>>, vector<1x16xf32>,
      %get3A_136 = vector.shape_cast %get3A_135 : vector<1x16xf32> to vector<16xf32>
      %add3A_137 = arith.addf %get3A_132, %get3A_136 : vector<16xf32>
      %swap3A_138 = arith.index_cast %scan3A_88 : i32 to index
      %swap3A_139 = arith.constant 48 : index
      %swap3A_140 = tpu.vector_load %arg9[%swap3A_138, %swap3A_139] {strides = array<i32>} : memref<504x128xf32, #tpu.memory_space<vmem>>, vector<1x16xf32>,
      %swap3A_141 = vector.shape_cast %swap3A_140 : vector<1x16xf32> to vector<16xf32>
      %swap3A_142 = vector.shape_cast %add3A_137 : vector<16xf32> to vector<1x16xf32>
      tpu.vector_store %arg9[%swap3A_138, %swap3A_139], %swap3A_142 {strides = array<i32>} : memref<504x128xf32, #tpu.memory_space<vmem>>, vector<1x16xf32>,
      %get3A_143 = arith.index_cast %scan3A_88 : i32 to index
      %get3A_144 = arith.constant 64 : index
      %get3A_145 = tpu.vector_load %arg9[%get3A_143, %get3A_144] {strides = array<i32>} : memref<504x128xf32, #tpu.memory_space<vmem>>, vector<1x16xf32>,
      %get3A_146 = vector.shape_cast %get3A_145 : vector<1x16xf32> to vector<16xf32>
      %get3A_147 = arith.index_cast %scan3A_88 : i32 to index
      %get3A_148 = arith.constant 64 : index
      %get3A_149 = tpu.vector_load %arg10[%get3A_147, %get3A_148] {strides = array<i32>} : memref<504x128xf32, #tpu.memory_space<vmem>>, vector<1x16xf32>,
      %get3A_150 = vector.shape_cast %get3A_149 : vector<1x16xf32> to vector<16xf32>
      %add3A_151 = arith.addf %get3A_146, %get3A_150 : vector<16xf32>
      %swap3A_152 = arith.index_cast %scan3A_88 : i32 to index
      %swap3A_153 = arith.constant 64 : index
      %swap3A_154 = tpu.vector_load %arg9[%swap3A_152, %swap3A_153] {strides = array<i32>} : memref<504x128xf32, #tpu.memory_space<vmem>>, vector<1x16xf32>,
      %swap3A_155 = vector.shape_cast %swap3A_154 : vector<1x16xf32> to vector<16xf32>
      %swap3A_156 = vector.shape_cast %add3A_151 : vector<16xf32> to vector<1x16xf32>
      tpu.vector_store %arg9[%swap3A_152, %swap3A_153], %swap3A_156 {strides = array<i32>} : memref<504x128xf32, #tpu.memory_space<vmem>>, vector<1x16xf32>,
      %get3A_157 = arith.index_cast %scan3A_88 : i32 to index
      %get3A_158 = arith.constant 80 : index
      %get3A_159 = tpu.vector_load %arg9[%get3A_157, %get3A_158] {strides = array<i32>} : memref<504x128xf32, #tpu.memory_space<vmem>>, vector<1x16xf32>,
      %get3A_160 = vector.shape_cast %get3A_159 : vector<1x16xf32> to vector<16xf32>
      %get3A_161 = arith.index_cast %scan3A_88 : i32 to index
      %get3A_162 = arith.constant 80 : index
      %get3A_163 = tpu.vector_load %arg10[%get3A_161, %get3A_162] {strides = array<i32>} : memref<504x128xf32, #tpu.memory_space<vmem>>, vector<1x16xf32>,
      %get3A_164 = vector.shape_cast %get3A_163 : vector<1x16xf32> to vector<16xf32>
      %add3A_165 = arith.addf %get3A_160, %get3A_164 : vector<16xf32>
      %swap3A_166 = arith.index_cast %scan3A_88 : i32 to index
      %swap3A_167 = arith.constant 80 : index
      %swap3A_168 = tpu.vector_load %arg9[%swap3A_166, %swap3A_167] {strides = array<i32>} : memref<504x128xf32, #tpu.memory_space<vmem>>, vector<1x16xf32>,
      %swap3A_169 = vector.shape_cast %swap3A_168 : vector<1x16xf32> to vector<16xf32>
      %swap3A_170 = vector.shape_cast %add3A_165 : vector<16xf32> to vector<1x16xf32>
      tpu.vector_store %arg9[%swap3A_166, %swap3A_167], %swap3A_170 {strides = array<i32>} : memref<504x128xf32, #tpu.memory_space<vmem>>, vector<1x16xf32>,
      %get3A_171 = arith.index_cast %scan3A_88 : i32 to index
      %get3A_172 = arith.constant 96 : index
      %get3A_173 = tpu.vector_load %arg9[%get3A_171, %get3A_172] {strides = array<i32>} : memref<504x128xf32, #tpu.memory_space<vmem>>, vector<1x16xf32>,
      %get3A_174 = vector.shape_cast %get3A_173 : vector<1x16xf32> to vector<16xf32>
      %get3A_175 = arith.index_cast %scan3A_88 : i32 to index
      %get3A_176 = arith.constant 96 : index
      %get3A_177 = tpu.vector_load %arg10[%get3A_175, %get3A_176] {strides = array<i32>} : memref<504x128xf32, #tpu.memory_space<vmem>>, vector<1x16xf32>,
      %get3A_178 = vector.shape_cast %get3A_177 : vector<1x16xf32> to vector<16xf32>
      %add3A_179 = arith.addf %get3A_174, %get3A_178 : vector<16xf32>
      %swap3A_180 = arith.index_cast %scan3A_88 : i32 to index
      %swap3A_181 = arith.constant 96 : index
      %swap3A_182 = tpu.vector_load %arg9[%swap3A_180, %swap3A_181] {strides = array<i32>} : memref<504x128xf32, #tpu.memory_space<vmem>>, vector<1x16xf32>,
      %swap3A_183 = vector.shape_cast %swap3A_182 : vector<1x16xf32> to vector<16xf32>
      %swap3A_184 = vector.shape_cast %add3A_179 : vector<16xf32> to vector<1x16xf32>
      tpu.vector_store %arg9[%swap3A_180, %swap3A_181], %swap3A_184 {strides = array<i32>} : memref<504x128xf32, #tpu.memory_space<vmem>>, vector<1x16xf32>,
      %get3A_185 = arith.index_cast %scan3A_88 : i32 to index
      %get3A_186 = arith.constant 112 : index
      %get3A_187 = tpu.vector_load %arg9[%get3A_185, %get3A_186] {strides = array<i32>} : memref<504x128xf32, #tpu.memory_space<vmem>>, vector<1x16xf32>,
      %get3A_188 = vector.shape_cast %get3A_187 : vector<1x16xf32> to vector<16xf32>
      %get3A_189 = arith.index_cast %scan3A_88 : i32 to index
      %get3A_190 = arith.constant 112 : index
      %get3A_191 = tpu.vector_load %arg10[%get3A_189, %get3A_190] {strides = array<i32>} : memref<504x128xf32, #tpu.memory_space<vmem>>, vector<1x16xf32>,
      %get3A_192 = vector.shape_cast %get3A_191 : vector<1x16xf32> to vector<16xf32>
      %add3A_193 = arith.addf %get3A_188, %get3A_192 : vector<16xf32>
      %swap3A_194 = arith.index_cast %scan3A_88 : i32 to index
      %swap3A_195 = arith.constant 112 : index
      %swap3A_196 = tpu.vector_load %arg9[%swap3A_194, %swap3A_195] {strides = array<i32>} : memref<504x128xf32, #tpu.memory_space<vmem>>, vector<1x16xf32>,
      %swap3A_197 = vector.shape_cast %swap3A_196 : vector<1x16xf32> to vector<16xf32>
      %swap3A_198 = vector.shape_cast %add3A_193 : vector<16xf32> to vector<1x16xf32>
      tpu.vector_store %arg9[%swap3A_194, %swap3A_195], %swap3A_198 {strides = array<i32>} : memref<504x128xf32, #tpu.memory_space<vmem>>, vector<1x16xf32>,
    }
    %scan3A_41 = arith.constant 504 : i32
    %add3A_42 = arith.constant 0 : i32
    %add3A_43 = arith.addi %mul3A_2, %add3A_42 : i32
    "tpu.region"() ({
      %run_scoped3A = tpu.sem_alloc : memref<!tpu.dma_semaphore, #tpu.memory_space<semaphore_mem>>
      %dma_start3A_88 = arith.constant 0 : i32
      %dma_start3A_89 = arith.constant 0 : i32
      %dma_start3A_90 = tpu.memref_slice %arg9[%dma_start3A_88, %dma_start3A_89] : memref<504x128xf32, #tpu.memory_space<vmem>> -> memref<504x128xf32, #tpu.memory_space<vmem>>
      %dma_start3A_91 = arith.constant 0 : i32
      %dma_start3A_92 = tpu.memref_slice %arg6[%add3A_43, %dma_start3A_91] : memref<32000x128xf32, #tpu.memory_space<hbm>> -> memref<504x128xf32, #tpu.memory_space<hbm>>
      %dma_start3A_93 = arith.constant 0 : i32
      %dma_start3A_94 = tpu.memref_slice %arg6[%add3A_43, %dma_start3A_93] : memref<32000x128xf32, #tpu.memory_space<hbm>> -> memref<504x128xf32, #tpu.memory_space<hbm>>
      %dma_start3A_95 = arith.constant 0 : i32
      %dma_start3A_96 = arith.constant 0 : i32
      %dma_start3A_97 = tpu.memref_slice %arg9[%dma_start3A_95, %dma_start3A_96] : memref<504x128xf32, #tpu.memory_space<vmem>> -> memref<504x128xf32, #tpu.memory_space<vmem>>
      tpu.enqueue_dma source(%dma_start3A_97 : memref<504x128xf32, #tpu.memory_space<vmem>>) target(%dma_start3A_94 : memref<504x128xf32, #tpu.memory_space<hbm>>) target_semaphore(%run_scoped3A : memref<!tpu.dma_semaphore, #tpu.memory_space<semaphore_mem>>)
      %dma_wait3A_98 = arith.constant 0 : i32
      %dma_wait3A_99 = arith.constant 0 : i32
      %dma_wait3A_100 = tpu.memref_slice %arg9[%dma_wait3A_98, %dma_wait3A_99] : memref<504x128xf32, #tpu.memory_space<vmem>> -> memref<504x128xf32, #tpu.memory_space<vmem>>
      %dma_wait3A_101 = arith.constant 0 : i32
      %dma_wait3A_102 = tpu.memref_slice %arg6[%add3A_43, %dma_wait3A_101] : memref<32000x128xf32, #tpu.memory_space<hbm>> -> memref<504x128xf32, #tpu.memory_space<hbm>>
      %dma_wait3A_103 = arith.constant 0 : i32
      %dma_wait3A_104 = tpu.memref_slice %arg6[%add3A_43, %dma_wait3A_103] : memref<32000x128xf32, #tpu.memory_space<hbm>> -> memref<504x128xf32, #tpu.memory_space<hbm>>
      %dma_wait3A_105 = arith.constant 0 : i32
      %dma_wait3A_106 = arith.constant 0 : i32
      %dma_wait3A_107 = tpu.memref_slice %arg9[%dma_wait3A_105, %dma_wait3A_106] : memref<504x128xf32, #tpu.memory_space<vmem>> -> memref<504x128xf32, #tpu.memory_space<vmem>>
      tpu.wait_dma2 semaphore(%run_scoped3A : memref<!tpu.dma_semaphore, #tpu.memory_space<semaphore_mem>>) src(%dma_wait3A_107 : memref<504x128xf32, #tpu.memory_space<vmem>>) dst(%dma_wait3A_104 : memref<504x128xf32, #tpu.memory_space<hbm>>)
      tpu.yield
    }) : () -> ()
    %add3A_44 = arith.constant 504 : i32
    %add3A_45 = arith.addi %mul3A_2, %add3A_44 : i32
    "tpu.region"() ({
      %run_scoped3A = tpu.sem_alloc : memref<!tpu.dma_semaphore, #tpu.memory_space<semaphore_mem>>
      %dma_start3A_88 = arith.constant 0 : i32
      %dma_start3A_89 = tpu.memref_slice %arg7[%dma_start3A_88] : memref<504xi32, #tpu.memory_space<vmem>> -> memref<496xi32, #tpu.memory_space<vmem>>
      %dma_start3A_90 = tpu.memref_slice %arg4[%add3A_45] : memref<32000xi32, #tpu.memory_space<hbm>> -> memref<496xi32, #tpu.memory_space<hbm>>
      %dma_start3A_91 = arith.constant 0 : i32
      %dma_start3A_92 = tpu.memref_slice %arg7[%dma_start3A_91] : memref<504xi32, #tpu.memory_space<vmem>> -> memref<496xi32, #tpu.memory_space<vmem>>
      %dma_start3A_93 = tpu.memref_slice %arg4[%add3A_45] : memref<32000xi32, #tpu.memory_space<hbm>> -> memref<496xi32, #tpu.memory_space<hbm>>
      tpu.enqueue_dma source(%dma_start3A_93 : memref<496xi32, #tpu.memory_space<hbm>>) target(%dma_start3A_92 : memref<496xi32, #tpu.memory_space<vmem>>) target_semaphore(%run_scoped3A : memref<!tpu.dma_semaphore, #tpu.memory_space<semaphore_mem>>)
      %dma_wait3A_94 = arith.constant 0 : i32
      %dma_wait3A_95 = tpu.memref_slice %arg7[%dma_wait3A_94] : memref<504xi32, #tpu.memory_space<vmem>> -> memref<496xi32, #tpu.memory_space<vmem>>
      %dma_wait3A_96 = tpu.memref_slice %arg4[%add3A_45] : memref<32000xi32, #tpu.memory_space<hbm>> -> memref<496xi32, #tpu.memory_space<hbm>>
      %dma_wait3A_97 = arith.constant 0 : i32
      %dma_wait3A_98 = tpu.memref_slice %arg7[%dma_wait3A_97] : memref<504xi32, #tpu.memory_space<vmem>> -> memref<496xi32, #tpu.memory_space<vmem>>
      %dma_wait3A_99 = tpu.memref_slice %arg4[%add3A_45] : memref<32000xi32, #tpu.memory_space<hbm>> -> memref<496xi32, #tpu.memory_space<hbm>>
      tpu.wait_dma2 semaphore(%run_scoped3A : memref<!tpu.dma_semaphore, #tpu.memory_space<semaphore_mem>>) src(%dma_wait3A_99 : memref<496xi32, #tpu.memory_space<hbm>>) dst(%dma_wait3A_98 : memref<496xi32, #tpu.memory_space<vmem>>)
      tpu.yield
    }) : () -> ()
    %add3A_46 = arith.constant 504 : i32
    %add3A_47 = arith.addi %mul3A_2, %add3A_46 : i32
    "tpu.region"() ({
      %run_scoped3A = tpu.sem_alloc : memref<!tpu.dma_semaphore, #tpu.memory_space<semaphore_mem>>
      %dma_start3A_88 = arith.constant 0 : i32
      %dma_start3A_89 = tpu.memref_slice %arg8[%dma_start3A_88] : memref<504xi32, #tpu.memory_space<vmem>> -> memref<496xi32, #tpu.memory_space<vmem>>
      %dma_start3A_90 = tpu.memref_slice %arg5[%add3A_47] : memref<32000xi32, #tpu.memory_space<hbm>> -> memref<496xi32, #tpu.memory_space<hbm>>
      %dma_start3A_91 = arith.constant 0 : i32
      %dma_start3A_92 = tpu.memref_slice %arg8[%dma_start3A_91] : memref<504xi32, #tpu.memory_space<vmem>> -> memref<496xi32, #tpu.memory_space<vmem>>
      %dma_start3A_93 = tpu.memref_slice %arg5[%add3A_47] : memref<32000xi32, #tpu.memory_space<hbm>> -> memref<496xi32, #tpu.memory_space<hbm>>
      tpu.enqueue_dma source(%dma_start3A_93 : memref<496xi32, #tpu.memory_space<hbm>>) target(%dma_start3A_92 : memref<496xi32, #tpu.memory_space<vmem>>) target_semaphore(%run_scoped3A : memref<!tpu.dma_semaphore, #tpu.memory_space<semaphore_mem>>)
      %dma_wait3A_94 = arith.constant 0 : i32
      %dma_wait3A_95 = tpu.memref_slice %arg8[%dma_wait3A_94] : memref<504xi32, #tpu.memory_space<vmem>> -> memref<496xi32, #tpu.memory_space<vmem>>
      %dma_wait3A_96 = tpu.memref_slice %arg5[%add3A_47] : memref<32000xi32, #tpu.memory_space<hbm>> -> memref<496xi32, #tpu.memory_space<hbm>>
      %dma_wait3A_97 = arith.constant 0 : i32
      %dma_wait3A_98 = tpu.memref_slice %arg8[%dma_wait3A_97] : memref<504xi32, #tpu.memory_space<vmem>> -> memref<496xi32, #tpu.memory_space<vmem>>
      %dma_wait3A_99 = tpu.memref_slice %arg5[%add3A_47] : memref<32000xi32, #tpu.memory_space<hbm>> -> memref<496xi32, #tpu.memory_space<hbm>>
      tpu.wait_dma2 semaphore(%run_scoped3A : memref<!tpu.dma_semaphore, #tpu.memory_space<semaphore_mem>>) src(%dma_wait3A_99 : memref<496xi32, #tpu.memory_space<hbm>>) dst(%dma_wait3A_98 : memref<496xi32, #tpu.memory_space<vmem>>)
      tpu.yield
    }) : () -> ()
    %dma_start3A_48 = arith.constant 0 : i32
    %dma_start3A_49 = arith.constant 0 : i32
    %dma_start3A_50 = tpu.memref_slice %arg9[%dma_start3A_48, %dma_start3A_49] : memref<504x128xf32, #tpu.memory_space<vmem>> -> memref<496x128xf32, #tpu.memory_space<vmem>>
    %dma_start3A_51 = arith.constant 0 : i32
    %dma_start3A_52 = tpu.memref_slice %arg7[%dma_start3A_51] : memref<504xi32, #tpu.memory_space<vmem>> -> memref<496xi32, #tpu.memory_space<vmem>>
    %dma_start3A_53 = arith.constant 0 : i32
    %dma_start3A_54 = arith.constant 0 : i32
    %dma_start3A_55 = tpu.memref_slice %arg2[%dma_start3A_53, %dma_start3A_54] : memref<10000x128xf32, #tpu.memory_space<hbm>> -> memref<10000x128xf32, #tpu.memory_space<hbm>>
    tpu.enqueue_indirect_dma source(%dma_start3A_55 : memref<10000x128xf32, #tpu.memory_space<hbm>>) target(%dma_start3A_50 : memref<496x128xf32, #tpu.memory_space<vmem>>) offsets(%dma_start3A_52 : memref<496xi32, #tpu.memory_space<vmem>>) semaphore(%arg11 : memref<!tpu.dma_semaphore, #tpu.memory_space<semaphore_mem>>)
    %dma_start3A_56 = arith.constant 0 : i32
    %dma_start3A_57 = arith.constant 0 : i32
    %dma_start3A_58 = tpu.memref_slice %arg10[%dma_start3A_56, %dma_start3A_57] : memref<504x128xf32, #tpu.memory_space<vmem>> -> memref<496x128xf32, #tpu.memory_space<vmem>>
    %dma_start3A_59 = arith.constant 0 : i32
    %dma_start3A_60 = tpu.memref_slice %arg8[%dma_start3A_59] : memref<504xi32, #tpu.memory_space<vmem>> -> memref<496xi32, #tpu.memory_space<vmem>>
    %dma_start3A_61 = arith.constant 0 : i32
    %dma_start3A_62 = arith.constant 0 : i32
    %dma_start3A_63 = tpu.memref_slice %arg3[%dma_start3A_61, %dma_start3A_62] : memref<10000x128xf32, #tpu.memory_space<hbm>> -> memref<10000x128xf32, #tpu.memory_space<hbm>>
    tpu.enqueue_indirect_dma source(%dma_start3A_63 : memref<10000x128xf32, #tpu.memory_space<hbm>>) target(%dma_start3A_58 : memref<496x128xf32, #tpu.memory_space<vmem>>) offsets(%dma_start3A_60 : memref<496xi32, #tpu.memory_space<vmem>>) semaphore(%arg11 : memref<!tpu.dma_semaphore, #tpu.memory_space<semaphore_mem>>)
    %dma_wait3A_64 = arith.constant 0 : i32
    %dma_wait3A_65 = arith.constant 0 : i32
    %dma_wait3A_66 = tpu.memref_slice %arg9[%dma_wait3A_64, %dma_wait3A_65] : memref<504x128xf32, #tpu.memory_space<vmem>> -> memref<496x128xf32, #tpu.memory_space<vmem>>
    %dma_wait3A_67 = arith.constant 0 : i32
    %dma_wait3A_68 = tpu.memref_slice %arg7[%dma_wait3A_67] : memref<504xi32, #tpu.memory_space<vmem>> -> memref<496xi32, #tpu.memory_space<vmem>>
    %dma_wait3A_69 = arith.constant 0 : i32
    %dma_wait3A_70 = arith.constant 0 : i32
    %dma_wait3A_71 = tpu.memref_slice %arg2[%dma_wait3A_69, %dma_wait3A_70] : memref<10000x128xf32, #tpu.memory_space<hbm>> -> memref<10000x128xf32, #tpu.memory_space<hbm>>
    tpu.wait_indirect_dma semaphore(%arg11 : memref<!tpu.dma_semaphore, #tpu.memory_space<semaphore_mem>>) src(%dma_wait3A_71 : memref<10000x128xf32, #tpu.memory_space<hbm>>) dst(%dma_wait3A_66 : memref<496x128xf32, #tpu.memory_space<vmem>>)
    %dma_wait3A_72 = arith.constant 0 : i32
    %dma_wait3A_73 = arith.constant 0 : i32
    %dma_wait3A_74 = tpu.memref_slice %arg10[%dma_wait3A_72, %dma_wait3A_73] : memref<504x128xf32, #tpu.memory_space<vmem>> -> memref<496x128xf32, #tpu.memory_space<vmem>>
    %dma_wait3A_75 = arith.constant 0 : i32
    %dma_wait3A_76 = tpu.memref_slice %arg8[%dma_wait3A_75] : memref<504xi32, #tpu.memory_space<vmem>> -> memref<496xi32, #tpu.memory_space<vmem>>
    %dma_wait3A_77 = arith.constant 0 : i32
    %dma_wait3A_78 = arith.constant 0 : i32
    %dma_wait3A_79 = tpu.memref_slice %arg3[%dma_wait3A_77, %dma_wait3A_78] : memref<10000x128xf32, #tpu.memory_space<hbm>> -> memref<10000x128xf32, #tpu.memory_space<hbm>>
    tpu.wait_indirect_dma semaphore(%arg11 : memref<!tpu.dma_semaphore, #tpu.memory_space<semaphore_mem>>) src(%dma_wait3A_79 : memref<10000x128xf32, #tpu.memory_space<hbm>>) dst(%dma_wait3A_74 : memref<496x128xf32, #tpu.memory_space<vmem>>)
    %scan3A_80 = arith.constant 0 : i32
    %scan3A_81 = arith.constant 0 : i32
    %scan3A_82 = arith.constant 496 : i32
    %scan3A_83 = arith.addi %scan3A_81, %scan3A_82 : i32
    %scan3A_84 = arith.constant 1 : i32
    scf.for %scan3A_88 = %scan3A_81 to %scan3A_83 step %scan3A_84  : i32 {
      %get3A = arith.index_cast %scan3A_88 : i32 to index
      %get3A_89 = arith.constant 0 : index
      %get3A_90 = tpu.vector_load %arg9[%get3A, %get3A_89] {strides = array<i32>} : memref<504x128xf32, #tpu.memory_space<vmem>>, vector<1x16xf32>,
      %get3A_91 = vector.shape_cast %get3A_90 : vector<1x16xf32> to vector<16xf32>
      %get3A_92 = arith.index_cast %scan3A_88 : i32 to index
      %get3A_93 = arith.constant 0 : index
      %get3A_94 = tpu.vector_load %arg10[%get3A_92, %get3A_93] {strides = array<i32>} : memref<504x128xf32, #tpu.memory_space<vmem>>, vector<1x16xf32>,
      %get3A_95 = vector.shape_cast %get3A_94 : vector<1x16xf32> to vector<16xf32>
      %add3A_96 = arith.addf %get3A_91, %get3A_95 : vector<16xf32>
      %swap3A = arith.index_cast %scan3A_88 : i32 to index
      %swap3A_97 = arith.constant 0 : index
      %swap3A_98 = tpu.vector_load %arg9[%swap3A, %swap3A_97] {strides = array<i32>} : memref<504x128xf32, #tpu.memory_space<vmem>>, vector<1x16xf32>,
      %swap3A_99 = vector.shape_cast %swap3A_98 : vector<1x16xf32> to vector<16xf32>
      %swap3A_100 = vector.shape_cast %add3A_96 : vector<16xf32> to vector<1x16xf32>
      tpu.vector_store %arg9[%swap3A, %swap3A_97], %swap3A_100 {strides = array<i32>} : memref<504x128xf32, #tpu.memory_space<vmem>>, vector<1x16xf32>,
      %get3A_101 = arith.index_cast %scan3A_88 : i32 to index
      %get3A_102 = arith.constant 16 : index
      %get3A_103 = tpu.vector_load %arg9[%get3A_101, %get3A_102] {strides = array<i32>} : memref<504x128xf32, #tpu.memory_space<vmem>>, vector<1x16xf32>,
      %get3A_104 = vector.shape_cast %get3A_103 : vector<1x16xf32> to vector<16xf32>
      %get3A_105 = arith.index_cast %scan3A_88 : i32 to index
      %get3A_106 = arith.constant 16 : index
      %get3A_107 = tpu.vector_load %arg10[%get3A_105, %get3A_106] {strides = array<i32>} : memref<504x128xf32, #tpu.memory_space<vmem>>, vector<1x16xf32>,
      %get3A_108 = vector.shape_cast %get3A_107 : vector<1x16xf32> to vector<16xf32>
      %add3A_109 = arith.addf %get3A_104, %get3A_108 : vector<16xf32>
      %swap3A_110 = arith.index_cast %scan3A_88 : i32 to index
      %swap3A_111 = arith.constant 16 : index
      %swap3A_112 = tpu.vector_load %arg9[%swap3A_110, %swap3A_111] {strides = array<i32>} : memref<504x128xf32, #tpu.memory_space<vmem>>, vector<1x16xf32>,
      %swap3A_113 = vector.shape_cast %swap3A_112 : vector<1x16xf32> to vector<16xf32>
      %swap3A_114 = vector.shape_cast %add3A_109 : vector<16xf32> to vector<1x16xf32>
      tpu.vector_store %arg9[%swap3A_110, %swap3A_111], %swap3A_114 {strides = array<i32>} : memref<504x128xf32, #tpu.memory_space<vmem>>, vector<1x16xf32>,
      %get3A_115 = arith.index_cast %scan3A_88 : i32 to index
      %get3A_116 = arith.constant 32 : index
      %get3A_117 = tpu.vector_load %arg9[%get3A_115, %get3A_116] {strides = array<i32>} : memref<504x128xf32, #tpu.memory_space<vmem>>, vector<1x16xf32>,
      %get3A_118 = vector.shape_cast %get3A_117 : vector<1x16xf32> to vector<16xf32>
      %get3A_119 = arith.index_cast %scan3A_88 : i32 to index
      %get3A_120 = arith.constant 32 : index
      %get3A_121 = tpu.vector_load %arg10[%get3A_119, %get3A_120] {strides = array<i32>} : memref<504x128xf32, #tpu.memory_space<vmem>>, vector<1x16xf32>,
      %get3A_122 = vector.shape_cast %get3A_121 : vector<1x16xf32> to vector<16xf32>
      %add3A_123 = arith.addf %get3A_118, %get3A_122 : vector<16xf32>
      %swap3A_124 = arith.index_cast %scan3A_88 : i32 to index
      %swap3A_125 = arith.constant 32 : index
      %swap3A_126 = tpu.vector_load %arg9[%swap3A_124, %swap3A_125] {strides = array<i32>} : memref<504x128xf32, #tpu.memory_space<vmem>>, vector<1x16xf32>,
      %swap3A_127 = vector.shape_cast %swap3A_126 : vector<1x16xf32> to vector<16xf32>
      %swap3A_128 = vector.shape_cast %add3A_123 : vector<16xf32> to vector<1x16xf32>
      tpu.vector_store %arg9[%swap3A_124, %swap3A_125], %swap3A_128 {strides = array<i32>} : memref<504x128xf32, #tpu.memory_space<vmem>>, vector<1x16xf32>,
      %get3A_129 = arith.index_cast %scan3A_88 : i32 to index
      %get3A_130 = arith.constant 48 : index
      %get3A_131 = tpu.vector_load %arg9[%get3A_129, %get3A_130] {strides = array<i32>} : memref<504x128xf32, #tpu.memory_space<vmem>>, vector<1x16xf32>,
      %get3A_132 = vector.shape_cast %get3A_131 : vector<1x16xf32> to vector<16xf32>
      %get3A_133 = arith.index_cast %scan3A_88 : i32 to index
      %get3A_134 = arith.constant 48 : index
      %get3A_135 = tpu.vector_load %arg10[%get3A_133, %get3A_134] {strides = array<i32>} : memref<504x128xf32, #tpu.memory_space<vmem>>, vector<1x16xf32>,
      %get3A_136 = vector.shape_cast %get3A_135 : vector<1x16xf32> to vector<16xf32>
      %add3A_137 = arith.addf %get3A_132, %get3A_136 : vector<16xf32>
      %swap3A_138 = arith.index_cast %scan3A_88 : i32 to index
      %swap3A_139 = arith.constant 48 : index
      %swap3A_140 = tpu.vector_load %arg9[%swap3A_138, %swap3A_139] {strides = array<i32>} : memref<504x128xf32, #tpu.memory_space<vmem>>, vector<1x16xf32>,
      %swap3A_141 = vector.shape_cast %swap3A_140 : vector<1x16xf32> to vector<16xf32>
      %swap3A_142 = vector.shape_cast %add3A_137 : vector<16xf32> to vector<1x16xf32>
      tpu.vector_store %arg9[%swap3A_138, %swap3A_139], %swap3A_142 {strides = array<i32>} : memref<504x128xf32, #tpu.memory_space<vmem>>, vector<1x16xf32>,
      %get3A_143 = arith.index_cast %scan3A_88 : i32 to index
      %get3A_144 = arith.constant 64 : index
      %get3A_145 = tpu.vector_load %arg9[%get3A_143, %get3A_144] {strides = array<i32>} : memref<504x128xf32, #tpu.memory_space<vmem>>, vector<1x16xf32>,
      %get3A_146 = vector.shape_cast %get3A_145 : vector<1x16xf32> to vector<16xf32>
      %get3A_147 = arith.index_cast %scan3A_88 : i32 to index
      %get3A_148 = arith.constant 64 : index
      %get3A_149 = tpu.vector_load %arg10[%get3A_147, %get3A_148] {strides = array<i32>} : memref<504x128xf32, #tpu.memory_space<vmem>>, vector<1x16xf32>,
      %get3A_150 = vector.shape_cast %get3A_149 : vector<1x16xf32> to vector<16xf32>
      %add3A_151 = arith.addf %get3A_146, %get3A_150 : vector<16xf32>
      %swap3A_152 = arith.index_cast %scan3A_88 : i32 to index
      %swap3A_153 = arith.constant 64 : index
      %swap3A_154 = tpu.vector_load %arg9[%swap3A_152, %swap3A_153] {strides = array<i32>} : memref<504x128xf32, #tpu.memory_space<vmem>>, vector<1x16xf32>,
      %swap3A_155 = vector.shape_cast %swap3A_154 : vector<1x16xf32> to vector<16xf32>
      %swap3A_156 = vector.shape_cast %add3A_151 : vector<16xf32> to vector<1x16xf32>
      tpu.vector_store %arg9[%swap3A_152, %swap3A_153], %swap3A_156 {strides = array<i32>} : memref<504x128xf32, #tpu.memory_space<vmem>>, vector<1x16xf32>,
      %get3A_157 = arith.index_cast %scan3A_88 : i32 to index
      %get3A_158 = arith.constant 80 : index
      %get3A_159 = tpu.vector_load %arg9[%get3A_157, %get3A_158] {strides = array<i32>} : memref<504x128xf32, #tpu.memory_space<vmem>>, vector<1x16xf32>,
      %get3A_160 = vector.shape_cast %get3A_159 : vector<1x16xf32> to vector<16xf32>
      %get3A_161 = arith.index_cast %scan3A_88 : i32 to index
      %get3A_162 = arith.constant 80 : index
      %get3A_163 = tpu.vector_load %arg10[%get3A_161, %get3A_162] {strides = array<i32>} : memref<504x128xf32, #tpu.memory_space<vmem>>, vector<1x16xf32>,
      %get3A_164 = vector.shape_cast %get3A_163 : vector<1x16xf32> to vector<16xf32>
      %add3A_165 = arith.addf %get3A_160, %get3A_164 : vector<16xf32>
      %swap3A_166 = arith.index_cast %scan3A_88 : i32 to index
      %swap3A_167 = arith.constant 80 : index
      %swap3A_168 = tpu.vector_load %arg9[%swap3A_166, %swap3A_167] {strides = array<i32>} : memref<504x128xf32, #tpu.memory_space<vmem>>, vector<1x16xf32>,
      %swap3A_169 = vector.shape_cast %swap3A_168 : vector<1x16xf32> to vector<16xf32>
      %swap3A_170 = vector.shape_cast %add3A_165 : vector<16xf32> to vector<1x16xf32>
      tpu.vector_store %arg9[%swap3A_166, %swap3A_167], %swap3A_170 {strides = array<i32>} : memref<504x128xf32, #tpu.memory_space<vmem>>, vector<1x16xf32>,
      %get3A_171 = arith.index_cast %scan3A_88 : i32 to index
      %get3A_172 = arith.constant 96 : index
      %get3A_173 = tpu.vector_load %arg9[%get3A_171, %get3A_172] {strides = array<i32>} : memref<504x128xf32, #tpu.memory_space<vmem>>, vector<1x16xf32>,
      %get3A_174 = vector.shape_cast %get3A_173 : vector<1x16xf32> to vector<16xf32>
      %get3A_175 = arith.index_cast %scan3A_88 : i32 to index
      %get3A_176 = arith.constant 96 : index
      %get3A_177 = tpu.vector_load %arg10[%get3A_175, %get3A_176] {strides = array<i32>} : memref<504x128xf32, #tpu.memory_space<vmem>>, vector<1x16xf32>,
      %get3A_178 = vector.shape_cast %get3A_177 : vector<1x16xf32> to vector<16xf32>
      %add3A_179 = arith.addf %get3A_174, %get3A_178 : vector<16xf32>
      %swap3A_180 = arith.index_cast %scan3A_88 : i32 to index
      %swap3A_181 = arith.constant 96 : index
      %swap3A_182 = tpu.vector_load %arg9[%swap3A_180, %swap3A_181] {strides = array<i32>} : memref<504x128xf32, #tpu.memory_space<vmem>>, vector<1x16xf32>,
      %swap3A_183 = vector.shape_cast %swap3A_182 : vector<1x16xf32> to vector<16xf32>
      %swap3A_184 = vector.shape_cast %add3A_179 : vector<16xf32> to vector<1x16xf32>
      tpu.vector_store %arg9[%swap3A_180, %swap3A_181], %swap3A_184 {strides = array<i32>} : memref<504x128xf32, #tpu.memory_space<vmem>>, vector<1x16xf32>,
      %get3A_185 = arith.index_cast %scan3A_88 : i32 to index
      %get3A_186 = arith.constant 112 : index
      %get3A_187 = tpu.vector_load %arg9[%get3A_185, %get3A_186] {strides = array<i32>} : memref<504x128xf32, #tpu.memory_space<vmem>>, vector<1x16xf32>,
      %get3A_188 = vector.shape_cast %get3A_187 : vector<1x16xf32> to vector<16xf32>
      %get3A_189 = arith.index_cast %scan3A_88 : i32 to index
      %get3A_190 = arith.constant 112 : index
      %get3A_191 = tpu.vector_load %arg10[%get3A_189, %get3A_190] {strides = array<i32>} : memref<504x128xf32, #tpu.memory_space<vmem>>, vector<1x16xf32>,
      %get3A_192 = vector.shape_cast %get3A_191 : vector<1x16xf32> to vector<16xf32>
      %add3A_193 = arith.addf %get3A_188, %get3A_192 : vector<16xf32>
      %swap3A_194 = arith.index_cast %scan3A_88 : i32 to index
      %swap3A_195 = arith.constant 112 : index
      %swap3A_196 = tpu.vector_load %arg9[%swap3A_194, %swap3A_195] {strides = array<i32>} : memref<504x128xf32, #tpu.memory_space<vmem>>, vector<1x16xf32>,
      %swap3A_197 = vector.shape_cast %swap3A_196 : vector<1x16xf32> to vector<16xf32>
      %swap3A_198 = vector.shape_cast %add3A_193 : vector<16xf32> to vector<1x16xf32>
      tpu.vector_store %arg9[%swap3A_194, %swap3A_195], %swap3A_198 {strides = array<i32>} : memref<504x128xf32, #tpu.memory_space<vmem>>, vector<1x16xf32>,
    }
    %scan3A_85 = arith.constant 496 : i32
    %add3A_86 = arith.constant 504 : i32
    %add3A_87 = arith.addi %mul3A_2, %add3A_86 : i32
    "tpu.region"() ({
      %run_scoped3A = tpu.sem_alloc : memref<!tpu.dma_semaphore, #tpu.memory_space<semaphore_mem>>
      %dma_start3A_88 = arith.constant 0 : i32
      %dma_start3A_89 = arith.constant 0 : i32
      %dma_start3A_90 = tpu.memref_slice %arg9[%dma_start3A_88, %dma_start3A_89] : memref<504x128xf32, #tpu.memory_space<vmem>> -> memref<496x128xf32, #tpu.memory_space<vmem>>
      %dma_start3A_91 = arith.constant 0 : i32
      %dma_start3A_92 = tpu.memref_slice %arg6[%add3A_87, %dma_start3A_91] : memref<32000x128xf32, #tpu.memory_space<hbm>> -> memref<496x128xf32, #tpu.memory_space<hbm>>
      %dma_start3A_93 = arith.constant 0 : i32
      %dma_start3A_94 = tpu.memref_slice %arg6[%add3A_87, %dma_start3A_93] : memref<32000x128xf32, #tpu.memory_space<hbm>> -> memref<496x128xf32, #tpu.memory_space<hbm>>
      %dma_start3A_95 = arith.constant 0 : i32
      %dma_start3A_96 = arith.constant 0 : i32
      %dma_start3A_97 = tpu.memref_slice %arg9[%dma_start3A_95, %dma_start3A_96] : memref<504x128xf32, #tpu.memory_space<vmem>> -> memref<496x128xf32, #tpu.memory_space<vmem>>
      tpu.enqueue_dma source(%dma_start3A_97 : memref<496x128xf32, #tpu.memory_space<vmem>>) target(%dma_start3A_94 : memref<496x128xf32, #tpu.memory_space<hbm>>) target_semaphore(%run_scoped3A : memref<!tpu.dma_semaphore, #tpu.memory_space<semaphore_mem>>)
      %dma_wait3A_98 = arith.constant 0 : i32
      %dma_wait3A_99 = arith.constant 0 : i32
      %dma_wait3A_100 = tpu.memref_slice %arg9[%dma_wait3A_98, %dma_wait3A_99] : memref<504x128xf32, #tpu.memory_space<vmem>> -> memref<496x128xf32, #tpu.memory_space<vmem>>
      %dma_wait3A_101 = arith.constant 0 : i32
      %dma_wait3A_102 = tpu.memref_slice %arg6[%add3A_87, %dma_wait3A_101] : memref<32000x128xf32, #tpu.memory_space<hbm>> -> memref<496x128xf32, #tpu.memory_space<hbm>>
      %dma_wait3A_103 = arith.constant 0 : i32
      %dma_wait3A_104 = tpu.memref_slice %arg6[%add3A_87, %dma_wait3A_103] : memref<32000x128xf32, #tpu.memory_space<hbm>> -> memref<496x128xf32, #tpu.memory_space<hbm>>
      %dma_wait3A_105 = arith.constant 0 : i32
      %dma_wait3A_106 = arith.constant 0 : i32
      %dma_wait3A_107 = tpu.memref_slice %arg9[%dma_wait3A_105, %dma_wait3A_106] : memref<504x128xf32, #tpu.memory_space<vmem>> -> memref<496x128xf32, #tpu.memory_space<vmem>>
      tpu.wait_dma2 semaphore(%run_scoped3A : memref<!tpu.dma_semaphore, #tpu.memory_space<semaphore_mem>>) src(%dma_wait3A_107 : memref<496x128xf32, #tpu.memory_space<vmem>>) dst(%dma_wait3A_104 : memref<496x128xf32, #tpu.memory_space<hbm>>)
      tpu.yield
    }) : () -> ()
    return
  }
}

module attributes {stable_mosaic.version = 14 : i64} {
  func.func @_atom_body(%arg0: i32, %arg1: memref<1496x9xi32, #tpu.memory_space<vmem>>, %arg2: memref<1968x128xbf16, #tpu.memory_space<vmem>>, %arg3: memref<1496x128xf32, #tpu.memory_space<vmem>>) attributes {dimension_semantics = [#tpu.dimension_semantics<arbitrary>], iteration_bounds = array<i64: 6>, scalar_prefetch = 0 : i64, scratch_operands = 0 : i64, tpu.core_type = #tpu.core_type<tc>, window_params = [{transform_indices = @transform_0, window_bounds = array<i64: 1496, 9>}, {pipeline_mode = #tpu.pipeline_mode<synchronous>, transform_indices = @transform_1, window_bounds = array<i64: 1968, 128>}, {transform_indices = @transform_2, window_bounds = array<i64: 1496, 128>}]} {
    %get3A = arith.constant 0 : index
    %get3A_0 = arith.constant 0 : index
    %get3A_1 = vector.load %arg1[%get3A, %get3A_0] : memref<1496x9xi32, #tpu.memory_space<vmem>>, vector<1496x9xi32>
    %iota3A = tpu.iota {dimensions = array<i32: 1>} : vector<1496x128xi32>
    %broadcast_in_dim3A = arith.constant 0.000000e+00 : f32
    %broadcast_in_dim3A_2 = vector.broadcast %broadcast_in_dim3A : f32 to vector<1496x128xf32>
    %slice3A = vector.extract_strided_slice %get3A_1 {offsets = [0, 0], sizes = [1496, 1], strides = [1, 1]} : vector<1496x9xi32> to vector<1496x1xi32>
    %squeeze3A = vector.shape_cast %slice3A : vector<1496x1xi32> to vector<1496xi32>
    %broadcast_in_dim3A_3 = vector.shape_cast %squeeze3A : vector<1496xi32> to vector<1496x1xi32>
    %eq3A = vector.broadcast %broadcast_in_dim3A_3 : vector<1496x1xi32> to vector<1496x128xi32>
    %eq3A_4 = arith.cmpi eq, %eq3A, %iota3A : vector<1496x128xi32>
    %convert_element_type3A = arith.extui %eq3A_4 : vector<1496x128xi1> to vector<1496x128xi32>
    %convert_element_type3A_5 = arith.sitofp %convert_element_type3A : vector<1496x128xi32> to vector<1496x128xf32>
    %convert_element_type3A_6 = arith.truncf %convert_element_type3A_5 : vector<1496x128xf32> to vector<1496x128xbf16>
    %get3A_7 = arith.constant 0 : index
    %get3A_8 = arith.constant 0 : index
    %get3A_9 = vector.load %arg2[%get3A_7, %get3A_8] : memref<1968x128xbf16, #tpu.memory_space<vmem>>, vector<128x128xbf16>
    %dot_general3A = arith.constant dense<0.000000e+00> : vector<1496x128xf32>
    %dot_general3A_10 = tpu.matmul %convert_element_type3A_6, %get3A_9, %dot_general3A {dimension_numbers = #tpu.dot_dimension_numbers<[1], [0], [0], [1], [0, 0, 1, 1], [], []>, transpose_lhs_hint = false} : vector<1496x128xbf16>, vector<128x128xbf16>, vector<1496x128xf32> -> vector<1496x128xf32>
    %add3A = arith.addf %broadcast_in_dim3A_2, %dot_general3A_10 : vector<1496x128xf32>
    %slice3A_11 = vector.extract_strided_slice %get3A_1 {offsets = [0, 1], sizes = [1496, 1], strides = [1, 1]} : vector<1496x9xi32> to vector<1496x1xi32>
    %squeeze3A_12 = vector.shape_cast %slice3A_11 : vector<1496x1xi32> to vector<1496xi32>
    %broadcast_in_dim3A_13 = vector.shape_cast %squeeze3A_12 : vector<1496xi32> to vector<1496x1xi32>
    %eq3A_14 = vector.broadcast %broadcast_in_dim3A_13 : vector<1496x1xi32> to vector<1496x128xi32>
    %eq3A_15 = arith.cmpi eq, %eq3A_14, %iota3A : vector<1496x128xi32>
    %convert_element_type3A_16 = arith.extui %eq3A_15 : vector<1496x128xi1> to vector<1496x128xi32>
    %convert_element_type3A_17 = arith.sitofp %convert_element_type3A_16 : vector<1496x128xi32> to vector<1496x128xf32>
    %convert_element_type3A_18 = arith.truncf %convert_element_type3A_17 : vector<1496x128xf32> to vector<1496x128xbf16>
    %get3A_19 = arith.constant 128 : index
    %get3A_20 = arith.constant 0 : index
    %get3A_21 = vector.load %arg2[%get3A_19, %get3A_20] : memref<1968x128xbf16, #tpu.memory_space<vmem>>, vector<128x128xbf16>
    %dot_general3A_22 = arith.constant dense<0.000000e+00> : vector<1496x128xf32>
    %dot_general3A_23 = tpu.matmul %convert_element_type3A_18, %get3A_21, %dot_general3A_22 {dimension_numbers = #tpu.dot_dimension_numbers<[1], [0], [0], [1], [0, 0, 1, 1], [], []>, transpose_lhs_hint = false} : vector<1496x128xbf16>, vector<128x128xbf16>, vector<1496x128xf32> -> vector<1496x128xf32>
    %add3A_24 = arith.addf %add3A, %dot_general3A_23 : vector<1496x128xf32>
    %slice3A_25 = vector.extract_strided_slice %get3A_1 {offsets = [0, 2], sizes = [1496, 1], strides = [1, 1]} : vector<1496x9xi32> to vector<1496x1xi32>
    %squeeze3A_26 = vector.shape_cast %slice3A_25 : vector<1496x1xi32> to vector<1496xi32>
    %broadcast_in_dim3A_27 = vector.shape_cast %squeeze3A_26 : vector<1496xi32> to vector<1496x1xi32>
    %eq3A_28 = vector.broadcast %broadcast_in_dim3A_27 : vector<1496x1xi32> to vector<1496x128xi32>
    %eq3A_29 = arith.cmpi eq, %eq3A_28, %iota3A : vector<1496x128xi32>
    %convert_element_type3A_30 = arith.extui %eq3A_29 : vector<1496x128xi1> to vector<1496x128xi32>
    %convert_element_type3A_31 = arith.sitofp %convert_element_type3A_30 : vector<1496x128xi32> to vector<1496x128xf32>
    %convert_element_type3A_32 = arith.truncf %convert_element_type3A_31 : vector<1496x128xf32> to vector<1496x128xbf16>
    %get3A_33 = arith.constant 256 : index
    %get3A_34 = arith.constant 0 : index
    %get3A_35 = vector.load %arg2[%get3A_33, %get3A_34] : memref<1968x128xbf16, #tpu.memory_space<vmem>>, vector<128x128xbf16>
    %dot_general3A_36 = arith.constant dense<0.000000e+00> : vector<1496x128xf32>
    %dot_general3A_37 = tpu.matmul %convert_element_type3A_32, %get3A_35, %dot_general3A_36 {dimension_numbers = #tpu.dot_dimension_numbers<[1], [0], [0], [1], [0, 0, 1, 1], [], []>, transpose_lhs_hint = false} : vector<1496x128xbf16>, vector<128x128xbf16>, vector<1496x128xf32> -> vector<1496x128xf32>
    %add3A_38 = arith.addf %add3A_24, %dot_general3A_37 : vector<1496x128xf32>
    %slice3A_39 = vector.extract_strided_slice %get3A_1 {offsets = [0, 3], sizes = [1496, 1], strides = [1, 1]} : vector<1496x9xi32> to vector<1496x1xi32>
    %squeeze3A_40 = vector.shape_cast %slice3A_39 : vector<1496x1xi32> to vector<1496xi32>
    %broadcast_in_dim3A_41 = vector.shape_cast %squeeze3A_40 : vector<1496xi32> to vector<1496x1xi32>
    %eq3A_42 = vector.broadcast %broadcast_in_dim3A_41 : vector<1496x1xi32> to vector<1496x128xi32>
    %eq3A_43 = arith.cmpi eq, %eq3A_42, %iota3A : vector<1496x128xi32>
    %convert_element_type3A_44 = arith.extui %eq3A_43 : vector<1496x128xi1> to vector<1496x128xi32>
    %convert_element_type3A_45 = arith.sitofp %convert_element_type3A_44 : vector<1496x128xi32> to vector<1496x128xf32>
    %convert_element_type3A_46 = arith.truncf %convert_element_type3A_45 : vector<1496x128xf32> to vector<1496x128xbf16>
    %get3A_47 = arith.constant 384 : index
    %get3A_48 = arith.constant 0 : index
    %get3A_49 = vector.load %arg2[%get3A_47, %get3A_48] : memref<1968x128xbf16, #tpu.memory_space<vmem>>, vector<128x128xbf16>
    %dot_general3A_50 = arith.constant dense<0.000000e+00> : vector<1496x128xf32>
    %dot_general3A_51 = tpu.matmul %convert_element_type3A_46, %get3A_49, %dot_general3A_50 {dimension_numbers = #tpu.dot_dimension_numbers<[1], [0], [0], [1], [0, 0, 1, 1], [], []>, transpose_lhs_hint = false} : vector<1496x128xbf16>, vector<128x128xbf16>, vector<1496x128xf32> -> vector<1496x128xf32>
    %add3A_52 = arith.addf %add3A_38, %dot_general3A_51 : vector<1496x128xf32>
    %slice3A_53 = vector.extract_strided_slice %get3A_1 {offsets = [0, 4], sizes = [1496, 1], strides = [1, 1]} : vector<1496x9xi32> to vector<1496x1xi32>
    %squeeze3A_54 = vector.shape_cast %slice3A_53 : vector<1496x1xi32> to vector<1496xi32>
    %broadcast_in_dim3A_55 = vector.shape_cast %squeeze3A_54 : vector<1496xi32> to vector<1496x1xi32>
    %eq3A_56 = vector.broadcast %broadcast_in_dim3A_55 : vector<1496x1xi32> to vector<1496x128xi32>
    %eq3A_57 = arith.cmpi eq, %eq3A_56, %iota3A : vector<1496x128xi32>
    %convert_element_type3A_58 = arith.extui %eq3A_57 : vector<1496x128xi1> to vector<1496x128xi32>
    %convert_element_type3A_59 = arith.sitofp %convert_element_type3A_58 : vector<1496x128xi32> to vector<1496x128xf32>
    %convert_element_type3A_60 = arith.truncf %convert_element_type3A_59 : vector<1496x128xf32> to vector<1496x128xbf16>
    %get3A_61 = arith.constant 512 : index
    %get3A_62 = arith.constant 0 : index
    %get3A_63 = vector.load %arg2[%get3A_61, %get3A_62] : memref<1968x128xbf16, #tpu.memory_space<vmem>>, vector<128x128xbf16>
    %dot_general3A_64 = arith.constant dense<0.000000e+00> : vector<1496x128xf32>
    %dot_general3A_65 = tpu.matmul %convert_element_type3A_60, %get3A_63, %dot_general3A_64 {dimension_numbers = #tpu.dot_dimension_numbers<[1], [0], [0], [1], [0, 0, 1, 1], [], []>, transpose_lhs_hint = false} : vector<1496x128xbf16>, vector<128x128xbf16>, vector<1496x128xf32> -> vector<1496x128xf32>
    %add3A_66 = arith.addf %add3A_52, %dot_general3A_65 : vector<1496x128xf32>
    %slice3A_67 = vector.extract_strided_slice %get3A_1 {offsets = [0, 5], sizes = [1496, 1], strides = [1, 1]} : vector<1496x9xi32> to vector<1496x1xi32>
    %squeeze3A_68 = vector.shape_cast %slice3A_67 : vector<1496x1xi32> to vector<1496xi32>
    %broadcast_in_dim3A_69 = vector.shape_cast %squeeze3A_68 : vector<1496xi32> to vector<1496x1xi32>
    %eq3A_70 = vector.broadcast %broadcast_in_dim3A_69 : vector<1496x1xi32> to vector<1496x128xi32>
    %eq3A_71 = arith.cmpi eq, %eq3A_70, %iota3A : vector<1496x128xi32>
    %convert_element_type3A_72 = arith.extui %eq3A_71 : vector<1496x128xi1> to vector<1496x128xi32>
    %convert_element_type3A_73 = arith.sitofp %convert_element_type3A_72 : vector<1496x128xi32> to vector<1496x128xf32>
    %convert_element_type3A_74 = arith.truncf %convert_element_type3A_73 : vector<1496x128xf32> to vector<1496x128xbf16>
    %get3A_75 = arith.constant 640 : index
    %get3A_76 = arith.constant 0 : index
    %get3A_77 = vector.load %arg2[%get3A_75, %get3A_76] : memref<1968x128xbf16, #tpu.memory_space<vmem>>, vector<128x128xbf16>
    %dot_general3A_78 = arith.constant dense<0.000000e+00> : vector<1496x128xf32>
    %dot_general3A_79 = tpu.matmul %convert_element_type3A_74, %get3A_77, %dot_general3A_78 {dimension_numbers = #tpu.dot_dimension_numbers<[1], [0], [0], [1], [0, 0, 1, 1], [], []>, transpose_lhs_hint = false} : vector<1496x128xbf16>, vector<128x128xbf16>, vector<1496x128xf32> -> vector<1496x128xf32>
    %add3A_80 = arith.addf %add3A_66, %dot_general3A_79 : vector<1496x128xf32>
    %slice3A_81 = vector.extract_strided_slice %get3A_1 {offsets = [0, 6], sizes = [1496, 1], strides = [1, 1]} : vector<1496x9xi32> to vector<1496x1xi32>
    %squeeze3A_82 = vector.shape_cast %slice3A_81 : vector<1496x1xi32> to vector<1496xi32>
    %broadcast_in_dim3A_83 = vector.shape_cast %squeeze3A_82 : vector<1496xi32> to vector<1496x1xi32>
    %eq3A_84 = vector.broadcast %broadcast_in_dim3A_83 : vector<1496x1xi32> to vector<1496x128xi32>
    %eq3A_85 = arith.cmpi eq, %eq3A_84, %iota3A : vector<1496x128xi32>
    %convert_element_type3A_86 = arith.extui %eq3A_85 : vector<1496x128xi1> to vector<1496x128xi32>
    %convert_element_type3A_87 = arith.sitofp %convert_element_type3A_86 : vector<1496x128xi32> to vector<1496x128xf32>
    %convert_element_type3A_88 = arith.truncf %convert_element_type3A_87 : vector<1496x128xf32> to vector<1496x128xbf16>
    %get3A_89 = arith.constant 768 : index
    %get3A_90 = arith.constant 0 : index
    %get3A_91 = vector.load %arg2[%get3A_89, %get3A_90] : memref<1968x128xbf16, #tpu.memory_space<vmem>>, vector<128x128xbf16>
    %dot_general3A_92 = arith.constant dense<0.000000e+00> : vector<1496x128xf32>
    %dot_general3A_93 = tpu.matmul %convert_element_type3A_88, %get3A_91, %dot_general3A_92 {dimension_numbers = #tpu.dot_dimension_numbers<[1], [0], [0], [1], [0, 0, 1, 1], [], []>, transpose_lhs_hint = false} : vector<1496x128xbf16>, vector<128x128xbf16>, vector<1496x128xf32> -> vector<1496x128xf32>
    %add3A_94 = arith.addf %add3A_80, %dot_general3A_93 : vector<1496x128xf32>
    %slice3A_95 = vector.extract_strided_slice %get3A_1 {offsets = [0, 7], sizes = [1496, 1], strides = [1, 1]} : vector<1496x9xi32> to vector<1496x1xi32>
    %squeeze3A_96 = vector.shape_cast %slice3A_95 : vector<1496x1xi32> to vector<1496xi32>
    %broadcast_in_dim3A_97 = vector.shape_cast %squeeze3A_96 : vector<1496xi32> to vector<1496x1xi32>
    %eq3A_98 = vector.broadcast %broadcast_in_dim3A_97 : vector<1496x1xi32> to vector<1496x128xi32>
    %eq3A_99 = arith.cmpi eq, %eq3A_98, %iota3A : vector<1496x128xi32>
    %convert_element_type3A_100 = arith.extui %eq3A_99 : vector<1496x128xi1> to vector<1496x128xi32>
    %convert_element_type3A_101 = arith.sitofp %convert_element_type3A_100 : vector<1496x128xi32> to vector<1496x128xf32>
    %convert_element_type3A_102 = arith.truncf %convert_element_type3A_101 : vector<1496x128xf32> to vector<1496x128xbf16>
    %get3A_103 = arith.constant 896 : index
    %get3A_104 = arith.constant 0 : index
    %get3A_105 = vector.load %arg2[%get3A_103, %get3A_104] : memref<1968x128xbf16, #tpu.memory_space<vmem>>, vector<128x128xbf16>
    %dot_general3A_106 = arith.constant dense<0.000000e+00> : vector<1496x128xf32>
    %dot_general3A_107 = tpu.matmul %convert_element_type3A_102, %get3A_105, %dot_general3A_106 {dimension_numbers = #tpu.dot_dimension_numbers<[1], [0], [0], [1], [0, 0, 1, 1], [], []>, transpose_lhs_hint = false} : vector<1496x128xbf16>, vector<128x128xbf16>, vector<1496x128xf32> -> vector<1496x128xf32>
    %add3A_108 = arith.addf %add3A_94, %dot_general3A_107 : vector<1496x128xf32>
    %slice3A_109 = vector.extract_strided_slice %get3A_1 {offsets = [0, 8], sizes = [1496, 1], strides = [1, 1]} : vector<1496x9xi32> to vector<1496x1xi32>
    %squeeze3A_110 = vector.shape_cast %slice3A_109 : vector<1496x1xi32> to vector<1496xi32>
    %broadcast_in_dim3A_111 = vector.shape_cast %squeeze3A_110 : vector<1496xi32> to vector<1496x1xi32>
    %eq3A_112 = vector.broadcast %broadcast_in_dim3A_111 : vector<1496x1xi32> to vector<1496x128xi32>
    %eq3A_113 = arith.cmpi eq, %eq3A_112, %iota3A : vector<1496x128xi32>
    %convert_element_type3A_114 = arith.extui %eq3A_113 : vector<1496x128xi1> to vector<1496x128xi32>
    %convert_element_type3A_115 = arith.sitofp %convert_element_type3A_114 : vector<1496x128xi32> to vector<1496x128xf32>
    %convert_element_type3A_116 = arith.truncf %convert_element_type3A_115 : vector<1496x128xf32> to vector<1496x128xbf16>
    %get3A_117 = arith.constant 1024 : index
    %get3A_118 = arith.constant 0 : index
    %get3A_119 = vector.load %arg2[%get3A_117, %get3A_118] : memref<1968x128xbf16, #tpu.memory_space<vmem>>, vector<128x128xbf16>
    %dot_general3A_120 = arith.constant dense<0.000000e+00> : vector<1496x128xf32>
    %dot_general3A_121 = tpu.matmul %convert_element_type3A_116, %get3A_119, %dot_general3A_120 {dimension_numbers = #tpu.dot_dimension_numbers<[1], [0], [0], [1], [0, 0, 1, 1], [], []>, transpose_lhs_hint = false} : vector<1496x128xbf16>, vector<128x128xbf16>, vector<1496x128xf32> -> vector<1496x128xf32>
    %add3A_122 = arith.addf %add3A_108, %dot_general3A_121 : vector<1496x128xf32>
    %swap3A = arith.constant 0 : index
    %swap3A_123 = arith.constant 0 : index
    %swap3A_124 = vector.load %arg3[%swap3A, %swap3A_123] : memref<1496x128xf32, #tpu.memory_space<vmem>>, vector<1496x128xf32>
    tpu.vector_store %arg3[%swap3A, %swap3A_123], %add3A_122 {strides = array<i32>} : memref<1496x128xf32, #tpu.memory_space<vmem>>, vector<1496x128xf32>,
    return
  }
  func.func @transform_0(%arg0: i32) -> (i32, i32) {
    %c0_i32 = arith.constant 0 : i32
    %c0_i32_0 = arith.constant 0 : i32
    return %arg0, %c0_i32 : i32, i32
  }
  func.func @transform_1(%arg0: i32) -> (i32, i32) {
    %c0_i32 = arith.constant 0 : i32
    %c0_i32_0 = arith.constant 0 : i32
    %c0_i32_1 = arith.constant 0 : i32
    return %c0_i32, %c0_i32_0 : i32, i32
  }
  func.func @transform_2(%arg0: i32) -> (i32, i32) {
    %c0_i32 = arith.constant 0 : i32
    %c0_i32_0 = arith.constant 0 : i32
    return %arg0, %c0_i32 : i32, i32
  }
}

module attributes {stable_mosaic.version = 14 : i64} {
  func.func @_attn_body(%arg0: i32, %arg1: memref<32x128x128xf32, #tpu.memory_space<vmem>>, %arg2: memref<1x16x128xf32, #tpu.memory_space<vmem>>, %arg3: memref<1968x128xbf16, #tpu.memory_space<vmem>>, %arg4: memref<3x128xf32, #tpu.memory_space<vmem>>, %arg5: memref<1x128xf32, #tpu.memory_space<vmem>>, %arg6: memref<32x4096xbf16, #tpu.memory_space<vmem>>, %arg7: memref<32x16x128xf32, #tpu.memory_space<vmem>>) attributes {dimension_semantics = [#tpu.dimension_semantics<arbitrary>], iteration_bounds = array<i64: 2>, scalar_prefetch = 0 : i64, scratch_operands = 0 : i64, tpu.core_type = #tpu.core_type<tc>, window_params = [{transform_indices = @transform_0, window_bounds = array<i64: 32, 128, 128>}, {pipeline_mode = #tpu.pipeline_mode<synchronous>, transform_indices = @transform_1, window_bounds = array<i64: 1, 16, 128>}, {pipeline_mode = #tpu.pipeline_mode<synchronous>, transform_indices = @transform_2, window_bounds = array<i64: 1968, 128>}, {pipeline_mode = #tpu.pipeline_mode<synchronous>, transform_indices = @transform_3, window_bounds = array<i64: 3, 128>}, {pipeline_mode = #tpu.pipeline_mode<synchronous>, transform_indices = @transform_4, window_bounds = array<i64: 1, 128>}, {pipeline_mode = #tpu.pipeline_mode<synchronous>, transform_indices = @transform_5, window_bounds = array<i64: 32, 4096>}, {transform_indices = @transform_6, window_bounds = array<i64: 32, 16, 128>}]} {
    %get3A = arith.constant 0 : index
    %get3A_0 = arith.constant 0 : index
    %get3A_1 = arith.constant 0 : index
    %get3A_2 = vector.load %arg2[%get3A, %get3A_0, %get3A_1] : memref<1x16x128xf32, #tpu.memory_space<vmem>>, vector<1x16x128xf32>
    %get3A_3 = vector.shape_cast %get3A_2 : vector<1x16x128xf32> to vector<16x128xf32>
    %convert_element_type3A = arith.truncf %get3A_3 : vector<16x128xf32> to vector<16x128xbf16>
    %get3A_4 = arith.constant 1200 : index
    %get3A_5 = arith.constant 0 : index
    %get3A_6 = vector.load %arg3[%get3A_4, %get3A_5] : memref<1968x128xbf16, #tpu.memory_space<vmem>>, vector<128x128xbf16>
    %dot_general3A = arith.constant dense<0.000000e+00> : vector<16x128xf32>
    %dot_general3A_7 = tpu.matmul %convert_element_type3A, %get3A_6, %dot_general3A {dimension_numbers = #tpu.dot_dimension_numbers<[1], [1], [0], [0], [0, 0, 1, 0], [], []>, transpose_lhs_hint = false} : vector<16x128xbf16>, vector<128x128xbf16>, vector<16x128xf32> -> vector<16x128xf32>
    %get3A_8 = arith.constant 0 : index
    %get3A_9 = arith.constant 0 : index
    %get3A_10 = vector.load %arg4[%get3A_8, %get3A_9] : memref<3x128xf32, #tpu.memory_space<vmem>>, vector<1x128xf32>
    %add3A = vector.broadcast %get3A_10 : vector<1x128xf32> to vector<16x128xf32>
    %add3A_11 = arith.addf %dot_general3A_7, %add3A : vector<16x128xf32>
    %get3A_12 = arith.constant 0 : index
    %get3A_13 = arith.constant 0 : index
    %get3A_14 = arith.constant 0 : index
    %get3A_15 = vector.load %arg1[%get3A_12, %get3A_13, %get3A_14] : memref<32x128x128xf32, #tpu.memory_space<vmem>>, vector<32x128x128xf32>
    %reshape3A = vector.shape_cast %get3A_15 : vector<32x128x128xf32> to vector<4096x128xf32>
    %convert_element_type3A_16 = arith.truncf %reshape3A : vector<4096x128xf32> to vector<4096x128xbf16>
    %get3A_17 = arith.constant 1328 : index
    %get3A_18 = arith.constant 0 : index
    %get3A_19 = vector.load %arg3[%get3A_17, %get3A_18] : memref<1968x128xbf16, #tpu.memory_space<vmem>>, vector<128x128xbf16>
    %dot_general3A_20 = arith.constant dense<0.000000e+00> : vector<4096x128xf32>
    %dot_general3A_21 = tpu.matmul %convert_element_type3A_16, %get3A_19, %dot_general3A_20 {dimension_numbers = #tpu.dot_dimension_numbers<[1], [1], [0], [0], [0, 0, 1, 0], [], []>, transpose_lhs_hint = false} : vector<4096x128xbf16>, vector<128x128xbf16>, vector<4096x128xf32> -> vector<4096x128xf32>
    %get3A_22 = arith.constant 1 : index
    %get3A_23 = arith.constant 0 : index
    %get3A_24 = vector.load %arg4[%get3A_22, %get3A_23] : memref<3x128xf32, #tpu.memory_space<vmem>>, vector<1x128xf32>
    %add3A_25 = vector.broadcast %get3A_24 : vector<1x128xf32> to vector<4096x128xf32>
    %add3A_26 = arith.addf %dot_general3A_21, %add3A_25 : vector<4096x128xf32>
    %get3A_27 = arith.constant 1456 : index
    %get3A_28 = arith.constant 0 : index
    %get3A_29 = vector.load %arg3[%get3A_27, %get3A_28] : memref<1968x128xbf16, #tpu.memory_space<vmem>>, vector<128x128xbf16>
    %dot_general3A_30 = arith.constant dense<0.000000e+00> : vector<4096x128xf32>
    %dot_general3A_31 = tpu.matmul %convert_element_type3A_16, %get3A_29, %dot_general3A_30 {dimension_numbers = #tpu.dot_dimension_numbers<[1], [1], [0], [0], [0, 0, 1, 0], [], []>, transpose_lhs_hint = false} : vector<4096x128xbf16>, vector<128x128xbf16>, vector<4096x128xf32> -> vector<4096x128xf32>
    %get3A_32 = arith.constant 2 : index
    %get3A_33 = arith.constant 0 : index
    %get3A_34 = vector.load %arg4[%get3A_32, %get3A_33] : memref<3x128xf32, #tpu.memory_space<vmem>>, vector<1x128xf32>
    %add3A_35 = vector.broadcast %get3A_34 : vector<1x128xf32> to vector<4096x128xf32>
    %add3A_36 = arith.addf %dot_general3A_31, %add3A_35 : vector<4096x128xf32>
    %mul3A = arith.constant 1.250000e-01 : f32
    %mul3A_37 = vector.broadcast %mul3A : f32 to vector<16x128xf32>
    %mul3A_38 = arith.mulf %add3A_11, %mul3A_37 : vector<16x128xf32>
    %convert_element_type3A_39 = arith.truncf %mul3A_38 : vector<16x128xf32> to vector<16x128xbf16>
    %convert_element_type3A_40 = arith.truncf %add3A_26 : vector<4096x128xf32> to vector<4096x128xbf16>
    %convert_element_type3A_41 = arith.truncf %add3A_36 : vector<4096x128xf32> to vector<4096x128xbf16>
    %slice3A = vector.extract_strided_slice %convert_element_type3A_39 {offsets = [0, 0], sizes = [16, 64], strides = [1, 1]} : vector<16x128xbf16> to vector<16x64xbf16>
    %slice3A_42 = vector.extract_strided_slice %convert_element_type3A_40 {offsets = [0, 0], sizes = [4096, 64], strides = [1, 1]} : vector<4096x128xbf16> to vector<4096x64xbf16>
    %dot_general3A_43 = arith.constant dense<0.000000e+00> : vector<16x4096xf32>
    %dot_general3A_44 = tpu.matmul %slice3A, %slice3A_42, %dot_general3A_43 {dimension_numbers = #tpu.dot_dimension_numbers<[1], [1], [0], [0], [0, 0, 1, 0], [], []>, transpose_lhs_hint = false} : vector<16x64xbf16>, vector<4096x64xbf16>, vector<16x4096xf32> -> vector<16x4096xf32>
    %exp3A = math.exp %dot_general3A_44 : vector<16x4096xf32>
    %convert_element_type3A_45 = arith.truncf %exp3A : vector<16x4096xf32> to vector<16x4096xbf16>
    %get3A_46 = arith.constant 0 : index
    %get3A_47 = arith.constant 0 : index
    %get3A_48 = vector.load %arg6[%get3A_46, %get3A_47] : memref<32x4096xbf16, #tpu.memory_space<vmem>>, vector<32x4096xbf16>
    %dot_general3A_49 = arith.constant dense<0.000000e+00> : vector<16x32xf32>
    %dot_general3A_50 = tpu.matmul %convert_element_type3A_45, %get3A_48, %dot_general3A_49 {dimension_numbers = #tpu.dot_dimension_numbers<[1], [1], [0], [0], [0, 0, 1, 0], [], []>, transpose_lhs_hint = false} : vector<16x4096xbf16>, vector<32x4096xbf16>, vector<16x32xf32> -> vector<16x32xf32>
    %slice3A_51 = vector.extract_strided_slice %convert_element_type3A_45 {offsets = [0, 0], sizes = [16, 128], strides = [1, 1]} : vector<16x4096xbf16> to vector<16x128xbf16>
    %slice3A_52 = vector.extract_strided_slice %convert_element_type3A_41 {offsets = [0, 0], sizes = [128, 64], strides = [1, 1]} : vector<4096x128xbf16> to vector<128x64xbf16>
    %dot_general3A_53 = arith.constant dense<0.000000e+00> : vector<16x64xf32>
    %dot_general3A_54 = tpu.matmul %slice3A_51, %slice3A_52, %dot_general3A_53 {dimension_numbers = #tpu.dot_dimension_numbers<[1], [0], [0], [1], [0, 0, 1, 1], [], []>, transpose_lhs_hint = false} : vector<16x128xbf16>, vector<128x64xbf16>, vector<16x64xf32> -> vector<16x64xf32>
    %slice3A_55 = vector.extract_strided_slice %dot_general3A_50 {offsets = [0, 0], sizes = [16, 1], strides = [1, 1]} : vector<16x32xf32> to vector<16x1xf32>
    %div3A = vector.broadcast %slice3A_55 : vector<16x1xf32> to vector<16x64xf32>
    %div3A_56 = arith.divf %dot_general3A_54, %div3A : vector<16x64xf32>
    %slice3A_57 = vector.extract_strided_slice %convert_element_type3A_45 {offsets = [0, 128], sizes = [16, 128], strides = [1, 1]} : vector<16x4096xbf16> to vector<16x128xbf16>
    %slice3A_58 = vector.extract_strided_slice %convert_element_type3A_41 {offsets = [128, 0], sizes = [128, 64], strides = [1, 1]} : vector<4096x128xbf16> to vector<128x64xbf16>
    %dot_general3A_59 = arith.constant dense<0.000000e+00> : vector<16x64xf32>
    %dot_general3A_60 = tpu.matmul %slice3A_57, %slice3A_58, %dot_general3A_59 {dimension_numbers = #tpu.dot_dimension_numbers<[1], [0], [0], [1], [0, 0, 1, 1], [], []>, transpose_lhs_hint = false} : vector<16x128xbf16>, vector<128x64xbf16>, vector<16x64xf32> -> vector<16x64xf32>
    %slice3A_61 = vector.extract_strided_slice %dot_general3A_50 {offsets = [0, 1], sizes = [16, 1], strides = [1, 1]} : vector<16x32xf32> to vector<16x1xf32>
    %div3A_62 = vector.broadcast %slice3A_61 : vector<16x1xf32> to vector<16x64xf32>
    %div3A_63 = arith.divf %dot_general3A_60, %div3A_62 : vector<16x64xf32>
    %slice3A_64 = vector.extract_strided_slice %convert_element_type3A_45 {offsets = [0, 256], sizes = [16, 128], strides = [1, 1]} : vector<16x4096xbf16> to vector<16x128xbf16>
    %slice3A_65 = vector.extract_strided_slice %convert_element_type3A_41 {offsets = [256, 0], sizes = [128, 64], strides = [1, 1]} : vector<4096x128xbf16> to vector<128x64xbf16>
    %dot_general3A_66 = arith.constant dense<0.000000e+00> : vector<16x64xf32>
    %dot_general3A_67 = tpu.matmul %slice3A_64, %slice3A_65, %dot_general3A_66 {dimension_numbers = #tpu.dot_dimension_numbers<[1], [0], [0], [1], [0, 0, 1, 1], [], []>, transpose_lhs_hint = false} : vector<16x128xbf16>, vector<128x64xbf16>, vector<16x64xf32> -> vector<16x64xf32>
    %slice3A_68 = vector.extract_strided_slice %dot_general3A_50 {offsets = [0, 2], sizes = [16, 1], strides = [1, 1]} : vector<16x32xf32> to vector<16x1xf32>
    %div3A_69 = vector.broadcast %slice3A_68 : vector<16x1xf32> to vector<16x64xf32>
    %div3A_70 = arith.divf %dot_general3A_67, %div3A_69 : vector<16x64xf32>
    %slice3A_71 = vector.extract_strided_slice %convert_element_type3A_45 {offsets = [0, 384], sizes = [16, 128], strides = [1, 1]} : vector<16x4096xbf16> to vector<16x128xbf16>
    %slice3A_72 = vector.extract_strided_slice %convert_element_type3A_41 {offsets = [384, 0], sizes = [128, 64], strides = [1, 1]} : vector<4096x128xbf16> to vector<128x64xbf16>
    %dot_general3A_73 = arith.constant dense<0.000000e+00> : vector<16x64xf32>
    %dot_general3A_74 = tpu.matmul %slice3A_71, %slice3A_72, %dot_general3A_73 {dimension_numbers = #tpu.dot_dimension_numbers<[1], [0], [0], [1], [0, 0, 1, 1], [], []>, transpose_lhs_hint = false} : vector<16x128xbf16>, vector<128x64xbf16>, vector<16x64xf32> -> vector<16x64xf32>
    %slice3A_75 = vector.extract_strided_slice %dot_general3A_50 {offsets = [0, 3], sizes = [16, 1], strides = [1, 1]} : vector<16x32xf32> to vector<16x1xf32>
    %div3A_76 = vector.broadcast %slice3A_75 : vector<16x1xf32> to vector<16x64xf32>
    %div3A_77 = arith.divf %dot_general3A_74, %div3A_76 : vector<16x64xf32>
    %slice3A_78 = vector.extract_strided_slice %convert_element_type3A_45 {offsets = [0, 512], sizes = [16, 128], strides = [1, 1]} : vector<16x4096xbf16> to vector<16x128xbf16>
    %slice3A_79 = vector.extract_strided_slice %convert_element_type3A_41 {offsets = [512, 0], sizes = [128, 64], strides = [1, 1]} : vector<4096x128xbf16> to vector<128x64xbf16>
    %dot_general3A_80 = arith.constant dense<0.000000e+00> : vector<16x64xf32>
    %dot_general3A_81 = tpu.matmul %slice3A_78, %slice3A_79, %dot_general3A_80 {dimension_numbers = #tpu.dot_dimension_numbers<[1], [0], [0], [1], [0, 0, 1, 1], [], []>, transpose_lhs_hint = false} : vector<16x128xbf16>, vector<128x64xbf16>, vector<16x64xf32> -> vector<16x64xf32>
    %slice3A_82 = vector.extract_strided_slice %dot_general3A_50 {offsets = [0, 4], sizes = [16, 1], strides = [1, 1]} : vector<16x32xf32> to vector<16x1xf32>
    %div3A_83 = vector.broadcast %slice3A_82 : vector<16x1xf32> to vector<16x64xf32>
    %div3A_84 = arith.divf %dot_general3A_81, %div3A_83 : vector<16x64xf32>
    %slice3A_85 = vector.extract_strided_slice %convert_element_type3A_45 {offsets = [0, 640], sizes = [16, 128], strides = [1, 1]} : vector<16x4096xbf16> to vector<16x128xbf16>
    %slice3A_86 = vector.extract_strided_slice %convert_element_type3A_41 {offsets = [640, 0], sizes = [128, 64], strides = [1, 1]} : vector<4096x128xbf16> to vector<128x64xbf16>
    %dot_general3A_87 = arith.constant dense<0.000000e+00> : vector<16x64xf32>
    %dot_general3A_88 = tpu.matmul %slice3A_85, %slice3A_86, %dot_general3A_87 {dimension_numbers = #tpu.dot_dimension_numbers<[1], [0], [0], [1], [0, 0, 1, 1], [], []>, transpose_lhs_hint = false} : vector<16x128xbf16>, vector<128x64xbf16>, vector<16x64xf32> -> vector<16x64xf32>
    %slice3A_89 = vector.extract_strided_slice %dot_general3A_50 {offsets = [0, 5], sizes = [16, 1], strides = [1, 1]} : vector<16x32xf32> to vector<16x1xf32>
    %div3A_90 = vector.broadcast %slice3A_89 : vector<16x1xf32> to vector<16x64xf32>
    %div3A_91 = arith.divf %dot_general3A_88, %div3A_90 : vector<16x64xf32>
    %slice3A_92 = vector.extract_strided_slice %convert_element_type3A_45 {offsets = [0, 768], sizes = [16, 128], strides = [1, 1]} : vector<16x4096xbf16> to vector<16x128xbf16>
    %slice3A_93 = vector.extract_strided_slice %convert_element_type3A_41 {offsets = [768, 0], sizes = [128, 64], strides = [1, 1]} : vector<4096x128xbf16> to vector<128x64xbf16>
    %dot_general3A_94 = arith.constant dense<0.000000e+00> : vector<16x64xf32>
    %dot_general3A_95 = tpu.matmul %slice3A_92, %slice3A_93, %dot_general3A_94 {dimension_numbers = #tpu.dot_dimension_numbers<[1], [0], [0], [1], [0, 0, 1, 1], [], []>, transpose_lhs_hint = false} : vector<16x128xbf16>, vector<128x64xbf16>, vector<16x64xf32> -> vector<16x64xf32>
    %slice3A_96 = vector.extract_strided_slice %dot_general3A_50 {offsets = [0, 6], sizes = [16, 1], strides = [1, 1]} : vector<16x32xf32> to vector<16x1xf32>
    %div3A_97 = vector.broadcast %slice3A_96 : vector<16x1xf32> to vector<16x64xf32>
    %div3A_98 = arith.divf %dot_general3A_95, %div3A_97 : vector<16x64xf32>
    %slice3A_99 = vector.extract_strided_slice %convert_element_type3A_45 {offsets = [0, 896], sizes = [16, 128], strides = [1, 1]} : vector<16x4096xbf16> to vector<16x128xbf16>
    %slice3A_100 = vector.extract_strided_slice %convert_element_type3A_41 {offsets = [896, 0], sizes = [128, 64], strides = [1, 1]} : vector<4096x128xbf16> to vector<128x64xbf16>
    %dot_general3A_101 = arith.constant dense<0.000000e+00> : vector<16x64xf32>
    %dot_general3A_102 = tpu.matmul %slice3A_99, %slice3A_100, %dot_general3A_101 {dimension_numbers = #tpu.dot_dimension_numbers<[1], [0], [0], [1], [0, 0, 1, 1], [], []>, transpose_lhs_hint = false} : vector<16x128xbf16>, vector<128x64xbf16>, vector<16x64xf32> -> vector<16x64xf32>
    %slice3A_103 = vector.extract_strided_slice %dot_general3A_50 {offsets = [0, 7], sizes = [16, 1], strides = [1, 1]} : vector<16x32xf32> to vector<16x1xf32>
    %div3A_104 = vector.broadcast %slice3A_103 : vector<16x1xf32> to vector<16x64xf32>
    %div3A_105 = arith.divf %dot_general3A_102, %div3A_104 : vector<16x64xf32>
    %slice3A_106 = vector.extract_strided_slice %convert_element_type3A_45 {offsets = [0, 1024], sizes = [16, 128], strides = [1, 1]} : vector<16x4096xbf16> to vector<16x128xbf16>
    %slice3A_107 = vector.extract_strided_slice %convert_element_type3A_41 {offsets = [1024, 0], sizes = [128, 64], strides = [1, 1]} : vector<4096x128xbf16> to vector<128x64xbf16>
    %dot_general3A_108 = arith.constant dense<0.000000e+00> : vector<16x64xf32>
    %dot_general3A_109 = tpu.matmul %slice3A_106, %slice3A_107, %dot_general3A_108 {dimension_numbers = #tpu.dot_dimension_numbers<[1], [0], [0], [1], [0, 0, 1, 1], [], []>, transpose_lhs_hint = false} : vector<16x128xbf16>, vector<128x64xbf16>, vector<16x64xf32> -> vector<16x64xf32>
    %slice3A_110 = vector.extract_strided_slice %dot_general3A_50 {offsets = [0, 8], sizes = [16, 1], strides = [1, 1]} : vector<16x32xf32> to vector<16x1xf32>
    %div3A_111 = vector.broadcast %slice3A_110 : vector<16x1xf32> to vector<16x64xf32>
    %div3A_112 = arith.divf %dot_general3A_109, %div3A_111 : vector<16x64xf32>
    %slice3A_113 = vector.extract_strided_slice %convert_element_type3A_45 {offsets = [0, 1152], sizes = [16, 128], strides = [1, 1]} : vector<16x4096xbf16> to vector<16x128xbf16>
    %slice3A_114 = vector.extract_strided_slice %convert_element_type3A_41 {offsets = [1152, 0], sizes = [128, 64], strides = [1, 1]} : vector<4096x128xbf16> to vector<128x64xbf16>
    %dot_general3A_115 = arith.constant dense<0.000000e+00> : vector<16x64xf32>
    %dot_general3A_116 = tpu.matmul %slice3A_113, %slice3A_114, %dot_general3A_115 {dimension_numbers = #tpu.dot_dimension_numbers<[1], [0], [0], [1], [0, 0, 1, 1], [], []>, transpose_lhs_hint = false} : vector<16x128xbf16>, vector<128x64xbf16>, vector<16x64xf32> -> vector<16x64xf32>
    %slice3A_117 = vector.extract_strided_slice %dot_general3A_50 {offsets = [0, 9], sizes = [16, 1], strides = [1, 1]} : vector<16x32xf32> to vector<16x1xf32>
    %div3A_118 = vector.broadcast %slice3A_117 : vector<16x1xf32> to vector<16x64xf32>
    %div3A_119 = arith.divf %dot_general3A_116, %div3A_118 : vector<16x64xf32>
    %slice3A_120 = vector.extract_strided_slice %convert_element_type3A_45 {offsets = [0, 1280], sizes = [16, 128], strides = [1, 1]} : vector<16x4096xbf16> to vector<16x128xbf16>
    %slice3A_121 = vector.extract_strided_slice %convert_element_type3A_41 {offsets = [1280, 0], sizes = [128, 64], strides = [1, 1]} : vector<4096x128xbf16> to vector<128x64xbf16>
    %dot_general3A_122 = arith.constant dense<0.000000e+00> : vector<16x64xf32>
    %dot_general3A_123 = tpu.matmul %slice3A_120, %slice3A_121, %dot_general3A_122 {dimension_numbers = #tpu.dot_dimension_numbers<[1], [0], [0], [1], [0, 0, 1, 1], [], []>, transpose_lhs_hint = false} : vector<16x128xbf16>, vector<128x64xbf16>, vector<16x64xf32> -> vector<16x64xf32>
    %slice3A_124 = vector.extract_strided_slice %dot_general3A_50 {offsets = [0, 10], sizes = [16, 1], strides = [1, 1]} : vector<16x32xf32> to vector<16x1xf32>
    %div3A_125 = vector.broadcast %slice3A_124 : vector<16x1xf32> to vector<16x64xf32>
    %div3A_126 = arith.divf %dot_general3A_123, %div3A_125 : vector<16x64xf32>
    %slice3A_127 = vector.extract_strided_slice %convert_element_type3A_45 {offsets = [0, 1408], sizes = [16, 128], strides = [1, 1]} : vector<16x4096xbf16> to vector<16x128xbf16>
    %slice3A_128 = vector.extract_strided_slice %convert_element_type3A_41 {offsets = [1408, 0], sizes = [128, 64], strides = [1, 1]} : vector<4096x128xbf16> to vector<128x64xbf16>
    %dot_general3A_129 = arith.constant dense<0.000000e+00> : vector<16x64xf32>
    %dot_general3A_130 = tpu.matmul %slice3A_127, %slice3A_128, %dot_general3A_129 {dimension_numbers = #tpu.dot_dimension_numbers<[1], [0], [0], [1], [0, 0, 1, 1], [], []>, transpose_lhs_hint = false} : vector<16x128xbf16>, vector<128x64xbf16>, vector<16x64xf32> -> vector<16x64xf32>
    %slice3A_131 = vector.extract_strided_slice %dot_general3A_50 {offsets = [0, 11], sizes = [16, 1], strides = [1, 1]} : vector<16x32xf32> to vector<16x1xf32>
    %div3A_132 = vector.broadcast %slice3A_131 : vector<16x1xf32> to vector<16x64xf32>
    %div3A_133 = arith.divf %dot_general3A_130, %div3A_132 : vector<16x64xf32>
    %slice3A_134 = vector.extract_strided_slice %convert_element_type3A_45 {offsets = [0, 1536], sizes = [16, 128], strides = [1, 1]} : vector<16x4096xbf16> to vector<16x128xbf16>
    %slice3A_135 = vector.extract_strided_slice %convert_element_type3A_41 {offsets = [1536, 0], sizes = [128, 64], strides = [1, 1]} : vector<4096x128xbf16> to vector<128x64xbf16>
    %dot_general3A_136 = arith.constant dense<0.000000e+00> : vector<16x64xf32>
    %dot_general3A_137 = tpu.matmul %slice3A_134, %slice3A_135, %dot_general3A_136 {dimension_numbers = #tpu.dot_dimension_numbers<[1], [0], [0], [1], [0, 0, 1, 1], [], []>, transpose_lhs_hint = false} : vector<16x128xbf16>, vector<128x64xbf16>, vector<16x64xf32> -> vector<16x64xf32>
    %slice3A_138 = vector.extract_strided_slice %dot_general3A_50 {offsets = [0, 12], sizes = [16, 1], strides = [1, 1]} : vector<16x32xf32> to vector<16x1xf32>
    %div3A_139 = vector.broadcast %slice3A_138 : vector<16x1xf32> to vector<16x64xf32>
    %div3A_140 = arith.divf %dot_general3A_137, %div3A_139 : vector<16x64xf32>
    %slice3A_141 = vector.extract_strided_slice %convert_element_type3A_45 {offsets = [0, 1664], sizes = [16, 128], strides = [1, 1]} : vector<16x4096xbf16> to vector<16x128xbf16>
    %slice3A_142 = vector.extract_strided_slice %convert_element_type3A_41 {offsets = [1664, 0], sizes = [128, 64], strides = [1, 1]} : vector<4096x128xbf16> to vector<128x64xbf16>
    %dot_general3A_143 = arith.constant dense<0.000000e+00> : vector<16x64xf32>
    %dot_general3A_144 = tpu.matmul %slice3A_141, %slice3A_142, %dot_general3A_143 {dimension_numbers = #tpu.dot_dimension_numbers<[1], [0], [0], [1], [0, 0, 1, 1], [], []>, transpose_lhs_hint = false} : vector<16x128xbf16>, vector<128x64xbf16>, vector<16x64xf32> -> vector<16x64xf32>
    %slice3A_145 = vector.extract_strided_slice %dot_general3A_50 {offsets = [0, 13], sizes = [16, 1], strides = [1, 1]} : vector<16x32xf32> to vector<16x1xf32>
    %div3A_146 = vector.broadcast %slice3A_145 : vector<16x1xf32> to vector<16x64xf32>
    %div3A_147 = arith.divf %dot_general3A_144, %div3A_146 : vector<16x64xf32>
    %slice3A_148 = vector.extract_strided_slice %convert_element_type3A_45 {offsets = [0, 1792], sizes = [16, 128], strides = [1, 1]} : vector<16x4096xbf16> to vector<16x128xbf16>
    %slice3A_149 = vector.extract_strided_slice %convert_element_type3A_41 {offsets = [1792, 0], sizes = [128, 64], strides = [1, 1]} : vector<4096x128xbf16> to vector<128x64xbf16>
    %dot_general3A_150 = arith.constant dense<0.000000e+00> : vector<16x64xf32>
    %dot_general3A_151 = tpu.matmul %slice3A_148, %slice3A_149, %dot_general3A_150 {dimension_numbers = #tpu.dot_dimension_numbers<[1], [0], [0], [1], [0, 0, 1, 1], [], []>, transpose_lhs_hint = false} : vector<16x128xbf16>, vector<128x64xbf16>, vector<16x64xf32> -> vector<16x64xf32>
    %slice3A_152 = vector.extract_strided_slice %dot_general3A_50 {offsets = [0, 14], sizes = [16, 1], strides = [1, 1]} : vector<16x32xf32> to vector<16x1xf32>
    %div3A_153 = vector.broadcast %slice3A_152 : vector<16x1xf32> to vector<16x64xf32>
    %div3A_154 = arith.divf %dot_general3A_151, %div3A_153 : vector<16x64xf32>
    %slice3A_155 = vector.extract_strided_slice %convert_element_type3A_45 {offsets = [0, 1920], sizes = [16, 128], strides = [1, 1]} : vector<16x4096xbf16> to vector<16x128xbf16>
    %slice3A_156 = vector.extract_strided_slice %convert_element_type3A_41 {offsets = [1920, 0], sizes = [128, 64], strides = [1, 1]} : vector<4096x128xbf16> to vector<128x64xbf16>
    %dot_general3A_157 = arith.constant dense<0.000000e+00> : vector<16x64xf32>
    %dot_general3A_158 = tpu.matmul %slice3A_155, %slice3A_156, %dot_general3A_157 {dimension_numbers = #tpu.dot_dimension_numbers<[1], [0], [0], [1], [0, 0, 1, 1], [], []>, transpose_lhs_hint = false} : vector<16x128xbf16>, vector<128x64xbf16>, vector<16x64xf32> -> vector<16x64xf32>
    %slice3A_159 = vector.extract_strided_slice %dot_general3A_50 {offsets = [0, 15], sizes = [16, 1], strides = [1, 1]} : vector<16x32xf32> to vector<16x1xf32>
    %div3A_160 = vector.broadcast %slice3A_159 : vector<16x1xf32> to vector<16x64xf32>
    %div3A_161 = arith.divf %dot_general3A_158, %div3A_160 : vector<16x64xf32>
    %slice3A_162 = vector.extract_strided_slice %convert_element_type3A_45 {offsets = [0, 2048], sizes = [16, 128], strides = [1, 1]} : vector<16x4096xbf16> to vector<16x128xbf16>
    %slice3A_163 = vector.extract_strided_slice %convert_element_type3A_41 {offsets = [2048, 0], sizes = [128, 64], strides = [1, 1]} : vector<4096x128xbf16> to vector<128x64xbf16>
    %dot_general3A_164 = arith.constant dense<0.000000e+00> : vector<16x64xf32>
    %dot_general3A_165 = tpu.matmul %slice3A_162, %slice3A_163, %dot_general3A_164 {dimension_numbers = #tpu.dot_dimension_numbers<[1], [0], [0], [1], [0, 0, 1, 1], [], []>, transpose_lhs_hint = false} : vector<16x128xbf16>, vector<128x64xbf16>, vector<16x64xf32> -> vector<16x64xf32>
    %slice3A_166 = vector.extract_strided_slice %dot_general3A_50 {offsets = [0, 16], sizes = [16, 1], strides = [1, 1]} : vector<16x32xf32> to vector<16x1xf32>
    %div3A_167 = vector.broadcast %slice3A_166 : vector<16x1xf32> to vector<16x64xf32>
    %div3A_168 = arith.divf %dot_general3A_165, %div3A_167 : vector<16x64xf32>
    %slice3A_169 = vector.extract_strided_slice %convert_element_type3A_45 {offsets = [0, 2176], sizes = [16, 128], strides = [1, 1]} : vector<16x4096xbf16> to vector<16x128xbf16>
    %slice3A_170 = vector.extract_strided_slice %convert_element_type3A_41 {offsets = [2176, 0], sizes = [128, 64], strides = [1, 1]} : vector<4096x128xbf16> to vector<128x64xbf16>
    %dot_general3A_171 = arith.constant dense<0.000000e+00> : vector<16x64xf32>
    %dot_general3A_172 = tpu.matmul %slice3A_169, %slice3A_170, %dot_general3A_171 {dimension_numbers = #tpu.dot_dimension_numbers<[1], [0], [0], [1], [0, 0, 1, 1], [], []>, transpose_lhs_hint = false} : vector<16x128xbf16>, vector<128x64xbf16>, vector<16x64xf32> -> vector<16x64xf32>
    %slice3A_173 = vector.extract_strided_slice %dot_general3A_50 {offsets = [0, 17], sizes = [16, 1], strides = [1, 1]} : vector<16x32xf32> to vector<16x1xf32>
    %div3A_174 = vector.broadcast %slice3A_173 : vector<16x1xf32> to vector<16x64xf32>
    %div3A_175 = arith.divf %dot_general3A_172, %div3A_174 : vector<16x64xf32>
    %slice3A_176 = vector.extract_strided_slice %convert_element_type3A_45 {offsets = [0, 2304], sizes = [16, 128], strides = [1, 1]} : vector<16x4096xbf16> to vector<16x128xbf16>
    %slice3A_177 = vector.extract_strided_slice %convert_element_type3A_41 {offsets = [2304, 0], sizes = [128, 64], strides = [1, 1]} : vector<4096x128xbf16> to vector<128x64xbf16>
    %dot_general3A_178 = arith.constant dense<0.000000e+00> : vector<16x64xf32>
    %dot_general3A_179 = tpu.matmul %slice3A_176, %slice3A_177, %dot_general3A_178 {dimension_numbers = #tpu.dot_dimension_numbers<[1], [0], [0], [1], [0, 0, 1, 1], [], []>, transpose_lhs_hint = false} : vector<16x128xbf16>, vector<128x64xbf16>, vector<16x64xf32> -> vector<16x64xf32>
    %slice3A_180 = vector.extract_strided_slice %dot_general3A_50 {offsets = [0, 18], sizes = [16, 1], strides = [1, 1]} : vector<16x32xf32> to vector<16x1xf32>
    %div3A_181 = vector.broadcast %slice3A_180 : vector<16x1xf32> to vector<16x64xf32>
    %div3A_182 = arith.divf %dot_general3A_179, %div3A_181 : vector<16x64xf32>
    %slice3A_183 = vector.extract_strided_slice %convert_element_type3A_45 {offsets = [0, 2432], sizes = [16, 128], strides = [1, 1]} : vector<16x4096xbf16> to vector<16x128xbf16>
    %slice3A_184 = vector.extract_strided_slice %convert_element_type3A_41 {offsets = [2432, 0], sizes = [128, 64], strides = [1, 1]} : vector<4096x128xbf16> to vector<128x64xbf16>
    %dot_general3A_185 = arith.constant dense<0.000000e+00> : vector<16x64xf32>
    %dot_general3A_186 = tpu.matmul %slice3A_183, %slice3A_184, %dot_general3A_185 {dimension_numbers = #tpu.dot_dimension_numbers<[1], [0], [0], [1], [0, 0, 1, 1], [], []>, transpose_lhs_hint = false} : vector<16x128xbf16>, vector<128x64xbf16>, vector<16x64xf32> -> vector<16x64xf32>
    %slice3A_187 = vector.extract_strided_slice %dot_general3A_50 {offsets = [0, 19], sizes = [16, 1], strides = [1, 1]} : vector<16x32xf32> to vector<16x1xf32>
    %div3A_188 = vector.broadcast %slice3A_187 : vector<16x1xf32> to vector<16x64xf32>
    %div3A_189 = arith.divf %dot_general3A_186, %div3A_188 : vector<16x64xf32>
    %slice3A_190 = vector.extract_strided_slice %convert_element_type3A_45 {offsets = [0, 2560], sizes = [16, 128], strides = [1, 1]} : vector<16x4096xbf16> to vector<16x128xbf16>
    %slice3A_191 = vector.extract_strided_slice %convert_element_type3A_41 {offsets = [2560, 0], sizes = [128, 64], strides = [1, 1]} : vector<4096x128xbf16> to vector<128x64xbf16>
    %dot_general3A_192 = arith.constant dense<0.000000e+00> : vector<16x64xf32>
    %dot_general3A_193 = tpu.matmul %slice3A_190, %slice3A_191, %dot_general3A_192 {dimension_numbers = #tpu.dot_dimension_numbers<[1], [0], [0], [1], [0, 0, 1, 1], [], []>, transpose_lhs_hint = false} : vector<16x128xbf16>, vector<128x64xbf16>, vector<16x64xf32> -> vector<16x64xf32>
    %slice3A_194 = vector.extract_strided_slice %dot_general3A_50 {offsets = [0, 20], sizes = [16, 1], strides = [1, 1]} : vector<16x32xf32> to vector<16x1xf32>
    %div3A_195 = vector.broadcast %slice3A_194 : vector<16x1xf32> to vector<16x64xf32>
    %div3A_196 = arith.divf %dot_general3A_193, %div3A_195 : vector<16x64xf32>
    %slice3A_197 = vector.extract_strided_slice %convert_element_type3A_45 {offsets = [0, 2688], sizes = [16, 128], strides = [1, 1]} : vector<16x4096xbf16> to vector<16x128xbf16>
    %slice3A_198 = vector.extract_strided_slice %convert_element_type3A_41 {offsets = [2688, 0], sizes = [128, 64], strides = [1, 1]} : vector<4096x128xbf16> to vector<128x64xbf16>
    %dot_general3A_199 = arith.constant dense<0.000000e+00> : vector<16x64xf32>
    %dot_general3A_200 = tpu.matmul %slice3A_197, %slice3A_198, %dot_general3A_199 {dimension_numbers = #tpu.dot_dimension_numbers<[1], [0], [0], [1], [0, 0, 1, 1], [], []>, transpose_lhs_hint = false} : vector<16x128xbf16>, vector<128x64xbf16>, vector<16x64xf32> -> vector<16x64xf32>
    %slice3A_201 = vector.extract_strided_slice %dot_general3A_50 {offsets = [0, 21], sizes = [16, 1], strides = [1, 1]} : vector<16x32xf32> to vector<16x1xf32>
    %div3A_202 = vector.broadcast %slice3A_201 : vector<16x1xf32> to vector<16x64xf32>
    %div3A_203 = arith.divf %dot_general3A_200, %div3A_202 : vector<16x64xf32>
    %slice3A_204 = vector.extract_strided_slice %convert_element_type3A_45 {offsets = [0, 2816], sizes = [16, 128], strides = [1, 1]} : vector<16x4096xbf16> to vector<16x128xbf16>
    %slice3A_205 = vector.extract_strided_slice %convert_element_type3A_41 {offsets = [2816, 0], sizes = [128, 64], strides = [1, 1]} : vector<4096x128xbf16> to vector<128x64xbf16>
    %dot_general3A_206 = arith.constant dense<0.000000e+00> : vector<16x64xf32>
    %dot_general3A_207 = tpu.matmul %slice3A_204, %slice3A_205, %dot_general3A_206 {dimension_numbers = #tpu.dot_dimension_numbers<[1], [0], [0], [1], [0, 0, 1, 1], [], []>, transpose_lhs_hint = false} : vector<16x128xbf16>, vector<128x64xbf16>, vector<16x64xf32> -> vector<16x64xf32>
    %slice3A_208 = vector.extract_strided_slice %dot_general3A_50 {offsets = [0, 22], sizes = [16, 1], strides = [1, 1]} : vector<16x32xf32> to vector<16x1xf32>
    %div3A_209 = vector.broadcast %slice3A_208 : vector<16x1xf32> to vector<16x64xf32>
    %div3A_210 = arith.divf %dot_general3A_207, %div3A_209 : vector<16x64xf32>
    %slice3A_211 = vector.extract_strided_slice %convert_element_type3A_45 {offsets = [0, 2944], sizes = [16, 128], strides = [1, 1]} : vector<16x4096xbf16> to vector<16x128xbf16>
    %slice3A_212 = vector.extract_strided_slice %convert_element_type3A_41 {offsets = [2944, 0], sizes = [128, 64], strides = [1, 1]} : vector<4096x128xbf16> to vector<128x64xbf16>
    %dot_general3A_213 = arith.constant dense<0.000000e+00> : vector<16x64xf32>
    %dot_general3A_214 = tpu.matmul %slice3A_211, %slice3A_212, %dot_general3A_213 {dimension_numbers = #tpu.dot_dimension_numbers<[1], [0], [0], [1], [0, 0, 1, 1], [], []>, transpose_lhs_hint = false} : vector<16x128xbf16>, vector<128x64xbf16>, vector<16x64xf32> -> vector<16x64xf32>
    %slice3A_215 = vector.extract_strided_slice %dot_general3A_50 {offsets = [0, 23], sizes = [16, 1], strides = [1, 1]} : vector<16x32xf32> to vector<16x1xf32>
    %div3A_216 = vector.broadcast %slice3A_215 : vector<16x1xf32> to vector<16x64xf32>
    %div3A_217 = arith.divf %dot_general3A_214, %div3A_216 : vector<16x64xf32>
    %slice3A_218 = vector.extract_strided_slice %convert_element_type3A_45 {offsets = [0, 3072], sizes = [16, 128], strides = [1, 1]} : vector<16x4096xbf16> to vector<16x128xbf16>
    %slice3A_219 = vector.extract_strided_slice %convert_element_type3A_41 {offsets = [3072, 0], sizes = [128, 64], strides = [1, 1]} : vector<4096x128xbf16> to vector<128x64xbf16>
    %dot_general3A_220 = arith.constant dense<0.000000e+00> : vector<16x64xf32>
    %dot_general3A_221 = tpu.matmul %slice3A_218, %slice3A_219, %dot_general3A_220 {dimension_numbers = #tpu.dot_dimension_numbers<[1], [0], [0], [1], [0, 0, 1, 1], [], []>, transpose_lhs_hint = false} : vector<16x128xbf16>, vector<128x64xbf16>, vector<16x64xf32> -> vector<16x64xf32>
    %slice3A_222 = vector.extract_strided_slice %dot_general3A_50 {offsets = [0, 24], sizes = [16, 1], strides = [1, 1]} : vector<16x32xf32> to vector<16x1xf32>
    %div3A_223 = vector.broadcast %slice3A_222 : vector<16x1xf32> to vector<16x64xf32>
    %div3A_224 = arith.divf %dot_general3A_221, %div3A_223 : vector<16x64xf32>
    %slice3A_225 = vector.extract_strided_slice %convert_element_type3A_45 {offsets = [0, 3200], sizes = [16, 128], strides = [1, 1]} : vector<16x4096xbf16> to vector<16x128xbf16>
    %slice3A_226 = vector.extract_strided_slice %convert_element_type3A_41 {offsets = [3200, 0], sizes = [128, 64], strides = [1, 1]} : vector<4096x128xbf16> to vector<128x64xbf16>
    %dot_general3A_227 = arith.constant dense<0.000000e+00> : vector<16x64xf32>
    %dot_general3A_228 = tpu.matmul %slice3A_225, %slice3A_226, %dot_general3A_227 {dimension_numbers = #tpu.dot_dimension_numbers<[1], [0], [0], [1], [0, 0, 1, 1], [], []>, transpose_lhs_hint = false} : vector<16x128xbf16>, vector<128x64xbf16>, vector<16x64xf32> -> vector<16x64xf32>
    %slice3A_229 = vector.extract_strided_slice %dot_general3A_50 {offsets = [0, 25], sizes = [16, 1], strides = [1, 1]} : vector<16x32xf32> to vector<16x1xf32>
    %div3A_230 = vector.broadcast %slice3A_229 : vector<16x1xf32> to vector<16x64xf32>
    %div3A_231 = arith.divf %dot_general3A_228, %div3A_230 : vector<16x64xf32>
    %slice3A_232 = vector.extract_strided_slice %convert_element_type3A_45 {offsets = [0, 3328], sizes = [16, 128], strides = [1, 1]} : vector<16x4096xbf16> to vector<16x128xbf16>
    %slice3A_233 = vector.extract_strided_slice %convert_element_type3A_41 {offsets = [3328, 0], sizes = [128, 64], strides = [1, 1]} : vector<4096x128xbf16> to vector<128x64xbf16>
    %dot_general3A_234 = arith.constant dense<0.000000e+00> : vector<16x64xf32>
    %dot_general3A_235 = tpu.matmul %slice3A_232, %slice3A_233, %dot_general3A_234 {dimension_numbers = #tpu.dot_dimension_numbers<[1], [0], [0], [1], [0, 0, 1, 1], [], []>, transpose_lhs_hint = false} : vector<16x128xbf16>, vector<128x64xbf16>, vector<16x64xf32> -> vector<16x64xf32>
    %slice3A_236 = vector.extract_strided_slice %dot_general3A_50 {offsets = [0, 26], sizes = [16, 1], strides = [1, 1]} : vector<16x32xf32> to vector<16x1xf32>
    %div3A_237 = vector.broadcast %slice3A_236 : vector<16x1xf32> to vector<16x64xf32>
    %div3A_238 = arith.divf %dot_general3A_235, %div3A_237 : vector<16x64xf32>
    %slice3A_239 = vector.extract_strided_slice %convert_element_type3A_45 {offsets = [0, 3456], sizes = [16, 128], strides = [1, 1]} : vector<16x4096xbf16> to vector<16x128xbf16>
    %slice3A_240 = vector.extract_strided_slice %convert_element_type3A_41 {offsets = [3456, 0], sizes = [128, 64], strides = [1, 1]} : vector<4096x128xbf16> to vector<128x64xbf16>
    %dot_general3A_241 = arith.constant dense<0.000000e+00> : vector<16x64xf32>
    %dot_general3A_242 = tpu.matmul %slice3A_239, %slice3A_240, %dot_general3A_241 {dimension_numbers = #tpu.dot_dimension_numbers<[1], [0], [0], [1], [0, 0, 1, 1], [], []>, transpose_lhs_hint = false} : vector<16x128xbf16>, vector<128x64xbf16>, vector<16x64xf32> -> vector<16x64xf32>
    %slice3A_243 = vector.extract_strided_slice %dot_general3A_50 {offsets = [0, 27], sizes = [16, 1], strides = [1, 1]} : vector<16x32xf32> to vector<16x1xf32>
    %div3A_244 = vector.broadcast %slice3A_243 : vector<16x1xf32> to vector<16x64xf32>
    %div3A_245 = arith.divf %dot_general3A_242, %div3A_244 : vector<16x64xf32>
    %slice3A_246 = vector.extract_strided_slice %convert_element_type3A_45 {offsets = [0, 3584], sizes = [16, 128], strides = [1, 1]} : vector<16x4096xbf16> to vector<16x128xbf16>
    %slice3A_247 = vector.extract_strided_slice %convert_element_type3A_41 {offsets = [3584, 0], sizes = [128, 64], strides = [1, 1]} : vector<4096x128xbf16> to vector<128x64xbf16>
    %dot_general3A_248 = arith.constant dense<0.000000e+00> : vector<16x64xf32>
    %dot_general3A_249 = tpu.matmul %slice3A_246, %slice3A_247, %dot_general3A_248 {dimension_numbers = #tpu.dot_dimension_numbers<[1], [0], [0], [1], [0, 0, 1, 1], [], []>, transpose_lhs_hint = false} : vector<16x128xbf16>, vector<128x64xbf16>, vector<16x64xf32> -> vector<16x64xf32>
    %slice3A_250 = vector.extract_strided_slice %dot_general3A_50 {offsets = [0, 28], sizes = [16, 1], strides = [1, 1]} : vector<16x32xf32> to vector<16x1xf32>
    %div3A_251 = vector.broadcast %slice3A_250 : vector<16x1xf32> to vector<16x64xf32>
    %div3A_252 = arith.divf %dot_general3A_249, %div3A_251 : vector<16x64xf32>
    %slice3A_253 = vector.extract_strided_slice %convert_element_type3A_45 {offsets = [0, 3712], sizes = [16, 128], strides = [1, 1]} : vector<16x4096xbf16> to vector<16x128xbf16>
    %slice3A_254 = vector.extract_strided_slice %convert_element_type3A_41 {offsets = [3712, 0], sizes = [128, 64], strides = [1, 1]} : vector<4096x128xbf16> to vector<128x64xbf16>
    %dot_general3A_255 = arith.constant dense<0.000000e+00> : vector<16x64xf32>
    %dot_general3A_256 = tpu.matmul %slice3A_253, %slice3A_254, %dot_general3A_255 {dimension_numbers = #tpu.dot_dimension_numbers<[1], [0], [0], [1], [0, 0, 1, 1], [], []>, transpose_lhs_hint = false} : vector<16x128xbf16>, vector<128x64xbf16>, vector<16x64xf32> -> vector<16x64xf32>
    %slice3A_257 = vector.extract_strided_slice %dot_general3A_50 {offsets = [0, 29], sizes = [16, 1], strides = [1, 1]} : vector<16x32xf32> to vector<16x1xf32>
    %div3A_258 = vector.broadcast %slice3A_257 : vector<16x1xf32> to vector<16x64xf32>
    %div3A_259 = arith.divf %dot_general3A_256, %div3A_258 : vector<16x64xf32>
    %slice3A_260 = vector.extract_strided_slice %convert_element_type3A_45 {offsets = [0, 3840], sizes = [16, 128], strides = [1, 1]} : vector<16x4096xbf16> to vector<16x128xbf16>
    %slice3A_261 = vector.extract_strided_slice %convert_element_type3A_41 {offsets = [3840, 0], sizes = [128, 64], strides = [1, 1]} : vector<4096x128xbf16> to vector<128x64xbf16>
    %dot_general3A_262 = arith.constant dense<0.000000e+00> : vector<16x64xf32>
    %dot_general3A_263 = tpu.matmul %slice3A_260, %slice3A_261, %dot_general3A_262 {dimension_numbers = #tpu.dot_dimension_numbers<[1], [0], [0], [1], [0, 0, 1, 1], [], []>, transpose_lhs_hint = false} : vector<16x128xbf16>, vector<128x64xbf16>, vector<16x64xf32> -> vector<16x64xf32>
    %slice3A_264 = vector.extract_strided_slice %dot_general3A_50 {offsets = [0, 30], sizes = [16, 1], strides = [1, 1]} : vector<16x32xf32> to vector<16x1xf32>
    %div3A_265 = vector.broadcast %slice3A_264 : vector<16x1xf32> to vector<16x64xf32>
    %div3A_266 = arith.divf %dot_general3A_263, %div3A_265 : vector<16x64xf32>
    %slice3A_267 = vector.extract_strided_slice %convert_element_type3A_45 {offsets = [0, 3968], sizes = [16, 128], strides = [1, 1]} : vector<16x4096xbf16> to vector<16x128xbf16>
    %slice3A_268 = vector.extract_strided_slice %convert_element_type3A_41 {offsets = [3968, 0], sizes = [128, 64], strides = [1, 1]} : vector<4096x128xbf16> to vector<128x64xbf16>
    %dot_general3A_269 = arith.constant dense<0.000000e+00> : vector<16x64xf32>
    %dot_general3A_270 = tpu.matmul %slice3A_267, %slice3A_268, %dot_general3A_269 {dimension_numbers = #tpu.dot_dimension_numbers<[1], [0], [0], [1], [0, 0, 1, 1], [], []>, transpose_lhs_hint = false} : vector<16x128xbf16>, vector<128x64xbf16>, vector<16x64xf32> -> vector<16x64xf32>
    %slice3A_271 = vector.extract_strided_slice %dot_general3A_50 {offsets = [0, 31], sizes = [16, 1], strides = [1, 1]} : vector<16x32xf32> to vector<16x1xf32>
    %div3A_272 = vector.broadcast %slice3A_271 : vector<16x1xf32> to vector<16x64xf32>
    %div3A_273 = arith.divf %dot_general3A_270, %div3A_272 : vector<16x64xf32>
    %concatenate3A = tpu.concatenate %div3A_56, %div3A_63, %div3A_70, %div3A_77, %div3A_84, %div3A_91, %div3A_98, %div3A_105, %div3A_112, %div3A_119, %div3A_126, %div3A_133, %div3A_140, %div3A_147, %div3A_154, %div3A_161, %div3A_168, %div3A_175, %div3A_182, %div3A_189, %div3A_196, %div3A_203, %div3A_210, %div3A_217, %div3A_224, %div3A_231, %div3A_238, %div3A_245, %div3A_252, %div3A_259, %div3A_266, %div3A_273 in 0 : vector<16x64xf32>, vector<16x64xf32>, vector<16x64xf32>, vector<16x64xf32>, vector<16x64xf32>, vector<16x64xf32>, vector<16x64xf32>, vector<16x64xf32>, vector<16x64xf32>, vector<16x64xf32>, vector<16x64xf32>, vector<16x64xf32>, vector<16x64xf32>, vector<16x64xf32>, vector<16x64xf32>, vector<16x64xf32>, vector<16x64xf32>, vector<16x64xf32>, vector<16x64xf32>, vector<16x64xf32>, vector<16x64xf32>, vector<16x64xf32>, vector<16x64xf32>, vector<16x64xf32>, vector<16x64xf32>, vector<16x64xf32>, vector<16x64xf32>, vector<16x64xf32>, vector<16x64xf32>, vector<16x64xf32>, vector<16x64xf32>, vector<16x64xf32> -> vector<512x64xf32>
    %slice3A_274 = vector.extract_strided_slice %convert_element_type3A_39 {offsets = [0, 64], sizes = [16, 64], strides = [1, 1]} : vector<16x128xbf16> to vector<16x64xbf16>
    %slice3A_275 = vector.extract_strided_slice %convert_element_type3A_40 {offsets = [0, 64], sizes = [4096, 64], strides = [1, 1]} : vector<4096x128xbf16> to vector<4096x64xbf16>
    %dot_general3A_276 = arith.constant dense<0.000000e+00> : vector<16x4096xf32>
    %dot_general3A_277 = tpu.matmul %slice3A_274, %slice3A_275, %dot_general3A_276 {dimension_numbers = #tpu.dot_dimension_numbers<[1], [1], [0], [0], [0, 0, 1, 0], [], []>, transpose_lhs_hint = false} : vector<16x64xbf16>, vector<4096x64xbf16>, vector<16x4096xf32> -> vector<16x4096xf32>
    %exp3A_278 = math.exp %dot_general3A_277 : vector<16x4096xf32>
    %convert_element_type3A_279 = arith.truncf %exp3A_278 : vector<16x4096xf32> to vector<16x4096xbf16>
    %get3A_280 = arith.constant 0 : index
    %get3A_281 = arith.constant 0 : index
    %get3A_282 = vector.load %arg6[%get3A_280, %get3A_281] : memref<32x4096xbf16, #tpu.memory_space<vmem>>, vector<32x4096xbf16>
    %dot_general3A_283 = arith.constant dense<0.000000e+00> : vector<16x32xf32>
    %dot_general3A_284 = tpu.matmul %convert_element_type3A_279, %get3A_282, %dot_general3A_283 {dimension_numbers = #tpu.dot_dimension_numbers<[1], [1], [0], [0], [0, 0, 1, 0], [], []>, transpose_lhs_hint = false} : vector<16x4096xbf16>, vector<32x4096xbf16>, vector<16x32xf32> -> vector<16x32xf32>
    %slice3A_285 = vector.extract_strided_slice %convert_element_type3A_279 {offsets = [0, 0], sizes = [16, 128], strides = [1, 1]} : vector<16x4096xbf16> to vector<16x128xbf16>
    %slice3A_286 = vector.extract_strided_slice %convert_element_type3A_41 {offsets = [0, 64], sizes = [128, 64], strides = [1, 1]} : vector<4096x128xbf16> to vector<128x64xbf16>
    %dot_general3A_287 = arith.constant dense<0.000000e+00> : vector<16x64xf32>
    %dot_general3A_288 = tpu.matmul %slice3A_285, %slice3A_286, %dot_general3A_287 {dimension_numbers = #tpu.dot_dimension_numbers<[1], [0], [0], [1], [0, 0, 1, 1], [], []>, transpose_lhs_hint = false} : vector<16x128xbf16>, vector<128x64xbf16>, vector<16x64xf32> -> vector<16x64xf32>
    %slice3A_289 = vector.extract_strided_slice %dot_general3A_284 {offsets = [0, 0], sizes = [16, 1], strides = [1, 1]} : vector<16x32xf32> to vector<16x1xf32>
    %div3A_290 = vector.broadcast %slice3A_289 : vector<16x1xf32> to vector<16x64xf32>
    %div3A_291 = arith.divf %dot_general3A_288, %div3A_290 : vector<16x64xf32>
    %slice3A_292 = vector.extract_strided_slice %convert_element_type3A_279 {offsets = [0, 128], sizes = [16, 128], strides = [1, 1]} : vector<16x4096xbf16> to vector<16x128xbf16>
    %slice3A_293 = vector.extract_strided_slice %convert_element_type3A_41 {offsets = [128, 64], sizes = [128, 64], strides = [1, 1]} : vector<4096x128xbf16> to vector<128x64xbf16>
    %dot_general3A_294 = arith.constant dense<0.000000e+00> : vector<16x64xf32>
    %dot_general3A_295 = tpu.matmul %slice3A_292, %slice3A_293, %dot_general3A_294 {dimension_numbers = #tpu.dot_dimension_numbers<[1], [0], [0], [1], [0, 0, 1, 1], [], []>, transpose_lhs_hint = false} : vector<16x128xbf16>, vector<128x64xbf16>, vector<16x64xf32> -> vector<16x64xf32>
    %slice3A_296 = vector.extract_strided_slice %dot_general3A_284 {offsets = [0, 1], sizes = [16, 1], strides = [1, 1]} : vector<16x32xf32> to vector<16x1xf32>
    %div3A_297 = vector.broadcast %slice3A_296 : vector<16x1xf32> to vector<16x64xf32>
    %div3A_298 = arith.divf %dot_general3A_295, %div3A_297 : vector<16x64xf32>
    %slice3A_299 = vector.extract_strided_slice %convert_element_type3A_279 {offsets = [0, 256], sizes = [16, 128], strides = [1, 1]} : vector<16x4096xbf16> to vector<16x128xbf16>
    %slice3A_300 = vector.extract_strided_slice %convert_element_type3A_41 {offsets = [256, 64], sizes = [128, 64], strides = [1, 1]} : vector<4096x128xbf16> to vector<128x64xbf16>
    %dot_general3A_301 = arith.constant dense<0.000000e+00> : vector<16x64xf32>
    %dot_general3A_302 = tpu.matmul %slice3A_299, %slice3A_300, %dot_general3A_301 {dimension_numbers = #tpu.dot_dimension_numbers<[1], [0], [0], [1], [0, 0, 1, 1], [], []>, transpose_lhs_hint = false} : vector<16x128xbf16>, vector<128x64xbf16>, vector<16x64xf32> -> vector<16x64xf32>
    %slice3A_303 = vector.extract_strided_slice %dot_general3A_284 {offsets = [0, 2], sizes = [16, 1], strides = [1, 1]} : vector<16x32xf32> to vector<16x1xf32>
    %div3A_304 = vector.broadcast %slice3A_303 : vector<16x1xf32> to vector<16x64xf32>
    %div3A_305 = arith.divf %dot_general3A_302, %div3A_304 : vector<16x64xf32>
    %slice3A_306 = vector.extract_strided_slice %convert_element_type3A_279 {offsets = [0, 384], sizes = [16, 128], strides = [1, 1]} : vector<16x4096xbf16> to vector<16x128xbf16>
    %slice3A_307 = vector.extract_strided_slice %convert_element_type3A_41 {offsets = [384, 64], sizes = [128, 64], strides = [1, 1]} : vector<4096x128xbf16> to vector<128x64xbf16>
    %dot_general3A_308 = arith.constant dense<0.000000e+00> : vector<16x64xf32>
    %dot_general3A_309 = tpu.matmul %slice3A_306, %slice3A_307, %dot_general3A_308 {dimension_numbers = #tpu.dot_dimension_numbers<[1], [0], [0], [1], [0, 0, 1, 1], [], []>, transpose_lhs_hint = false} : vector<16x128xbf16>, vector<128x64xbf16>, vector<16x64xf32> -> vector<16x64xf32>
    %slice3A_310 = vector.extract_strided_slice %dot_general3A_284 {offsets = [0, 3], sizes = [16, 1], strides = [1, 1]} : vector<16x32xf32> to vector<16x1xf32>
    %div3A_311 = vector.broadcast %slice3A_310 : vector<16x1xf32> to vector<16x64xf32>
    %div3A_312 = arith.divf %dot_general3A_309, %div3A_311 : vector<16x64xf32>
    %slice3A_313 = vector.extract_strided_slice %convert_element_type3A_279 {offsets = [0, 512], sizes = [16, 128], strides = [1, 1]} : vector<16x4096xbf16> to vector<16x128xbf16>
    %slice3A_314 = vector.extract_strided_slice %convert_element_type3A_41 {offsets = [512, 64], sizes = [128, 64], strides = [1, 1]} : vector<4096x128xbf16> to vector<128x64xbf16>
    %dot_general3A_315 = arith.constant dense<0.000000e+00> : vector<16x64xf32>
    %dot_general3A_316 = tpu.matmul %slice3A_313, %slice3A_314, %dot_general3A_315 {dimension_numbers = #tpu.dot_dimension_numbers<[1], [0], [0], [1], [0, 0, 1, 1], [], []>, transpose_lhs_hint = false} : vector<16x128xbf16>, vector<128x64xbf16>, vector<16x64xf32> -> vector<16x64xf32>
    %slice3A_317 = vector.extract_strided_slice %dot_general3A_284 {offsets = [0, 4], sizes = [16, 1], strides = [1, 1]} : vector<16x32xf32> to vector<16x1xf32>
    %div3A_318 = vector.broadcast %slice3A_317 : vector<16x1xf32> to vector<16x64xf32>
    %div3A_319 = arith.divf %dot_general3A_316, %div3A_318 : vector<16x64xf32>
    %slice3A_320 = vector.extract_strided_slice %convert_element_type3A_279 {offsets = [0, 640], sizes = [16, 128], strides = [1, 1]} : vector<16x4096xbf16> to vector<16x128xbf16>
    %slice3A_321 = vector.extract_strided_slice %convert_element_type3A_41 {offsets = [640, 64], sizes = [128, 64], strides = [1, 1]} : vector<4096x128xbf16> to vector<128x64xbf16>
    %dot_general3A_322 = arith.constant dense<0.000000e+00> : vector<16x64xf32>
    %dot_general3A_323 = tpu.matmul %slice3A_320, %slice3A_321, %dot_general3A_322 {dimension_numbers = #tpu.dot_dimension_numbers<[1], [0], [0], [1], [0, 0, 1, 1], [], []>, transpose_lhs_hint = false} : vector<16x128xbf16>, vector<128x64xbf16>, vector<16x64xf32> -> vector<16x64xf32>
    %slice3A_324 = vector.extract_strided_slice %dot_general3A_284 {offsets = [0, 5], sizes = [16, 1], strides = [1, 1]} : vector<16x32xf32> to vector<16x1xf32>
    %div3A_325 = vector.broadcast %slice3A_324 : vector<16x1xf32> to vector<16x64xf32>
    %div3A_326 = arith.divf %dot_general3A_323, %div3A_325 : vector<16x64xf32>
    %slice3A_327 = vector.extract_strided_slice %convert_element_type3A_279 {offsets = [0, 768], sizes = [16, 128], strides = [1, 1]} : vector<16x4096xbf16> to vector<16x128xbf16>
    %slice3A_328 = vector.extract_strided_slice %convert_element_type3A_41 {offsets = [768, 64], sizes = [128, 64], strides = [1, 1]} : vector<4096x128xbf16> to vector<128x64xbf16>
    %dot_general3A_329 = arith.constant dense<0.000000e+00> : vector<16x64xf32>
    %dot_general3A_330 = tpu.matmul %slice3A_327, %slice3A_328, %dot_general3A_329 {dimension_numbers = #tpu.dot_dimension_numbers<[1], [0], [0], [1], [0, 0, 1, 1], [], []>, transpose_lhs_hint = false} : vector<16x128xbf16>, vector<128x64xbf16>, vector<16x64xf32> -> vector<16x64xf32>
    %slice3A_331 = vector.extract_strided_slice %dot_general3A_284 {offsets = [0, 6], sizes = [16, 1], strides = [1, 1]} : vector<16x32xf32> to vector<16x1xf32>
    %div3A_332 = vector.broadcast %slice3A_331 : vector<16x1xf32> to vector<16x64xf32>
    %div3A_333 = arith.divf %dot_general3A_330, %div3A_332 : vector<16x64xf32>
    %slice3A_334 = vector.extract_strided_slice %convert_element_type3A_279 {offsets = [0, 896], sizes = [16, 128], strides = [1, 1]} : vector<16x4096xbf16> to vector<16x128xbf16>
    %slice3A_335 = vector.extract_strided_slice %convert_element_type3A_41 {offsets = [896, 64], sizes = [128, 64], strides = [1, 1]} : vector<4096x128xbf16> to vector<128x64xbf16>
    %dot_general3A_336 = arith.constant dense<0.000000e+00> : vector<16x64xf32>
    %dot_general3A_337 = tpu.matmul %slice3A_334, %slice3A_335, %dot_general3A_336 {dimension_numbers = #tpu.dot_dimension_numbers<[1], [0], [0], [1], [0, 0, 1, 1], [], []>, transpose_lhs_hint = false} : vector<16x128xbf16>, vector<128x64xbf16>, vector<16x64xf32> -> vector<16x64xf32>
    %slice3A_338 = vector.extract_strided_slice %dot_general3A_284 {offsets = [0, 7], sizes = [16, 1], strides = [1, 1]} : vector<16x32xf32> to vector<16x1xf32>
    %div3A_339 = vector.broadcast %slice3A_338 : vector<16x1xf32> to vector<16x64xf32>
    %div3A_340 = arith.divf %dot_general3A_337, %div3A_339 : vector<16x64xf32>
    %slice3A_341 = vector.extract_strided_slice %convert_element_type3A_279 {offsets = [0, 1024], sizes = [16, 128], strides = [1, 1]} : vector<16x4096xbf16> to vector<16x128xbf16>
    %slice3A_342 = vector.extract_strided_slice %convert_element_type3A_41 {offsets = [1024, 64], sizes = [128, 64], strides = [1, 1]} : vector<4096x128xbf16> to vector<128x64xbf16>
    %dot_general3A_343 = arith.constant dense<0.000000e+00> : vector<16x64xf32>
    %dot_general3A_344 = tpu.matmul %slice3A_341, %slice3A_342, %dot_general3A_343 {dimension_numbers = #tpu.dot_dimension_numbers<[1], [0], [0], [1], [0, 0, 1, 1], [], []>, transpose_lhs_hint = false} : vector<16x128xbf16>, vector<128x64xbf16>, vector<16x64xf32> -> vector<16x64xf32>
    %slice3A_345 = vector.extract_strided_slice %dot_general3A_284 {offsets = [0, 8], sizes = [16, 1], strides = [1, 1]} : vector<16x32xf32> to vector<16x1xf32>
    %div3A_346 = vector.broadcast %slice3A_345 : vector<16x1xf32> to vector<16x64xf32>
    %div3A_347 = arith.divf %dot_general3A_344, %div3A_346 : vector<16x64xf32>
    %slice3A_348 = vector.extract_strided_slice %convert_element_type3A_279 {offsets = [0, 1152], sizes = [16, 128], strides = [1, 1]} : vector<16x4096xbf16> to vector<16x128xbf16>
    %slice3A_349 = vector.extract_strided_slice %convert_element_type3A_41 {offsets = [1152, 64], sizes = [128, 64], strides = [1, 1]} : vector<4096x128xbf16> to vector<128x64xbf16>
    %dot_general3A_350 = arith.constant dense<0.000000e+00> : vector<16x64xf32>
    %dot_general3A_351 = tpu.matmul %slice3A_348, %slice3A_349, %dot_general3A_350 {dimension_numbers = #tpu.dot_dimension_numbers<[1], [0], [0], [1], [0, 0, 1, 1], [], []>, transpose_lhs_hint = false} : vector<16x128xbf16>, vector<128x64xbf16>, vector<16x64xf32> -> vector<16x64xf32>
    %slice3A_352 = vector.extract_strided_slice %dot_general3A_284 {offsets = [0, 9], sizes = [16, 1], strides = [1, 1]} : vector<16x32xf32> to vector<16x1xf32>
    %div3A_353 = vector.broadcast %slice3A_352 : vector<16x1xf32> to vector<16x64xf32>
    %div3A_354 = arith.divf %dot_general3A_351, %div3A_353 : vector<16x64xf32>
    %slice3A_355 = vector.extract_strided_slice %convert_element_type3A_279 {offsets = [0, 1280], sizes = [16, 128], strides = [1, 1]} : vector<16x4096xbf16> to vector<16x128xbf16>
    %slice3A_356 = vector.extract_strided_slice %convert_element_type3A_41 {offsets = [1280, 64], sizes = [128, 64], strides = [1, 1]} : vector<4096x128xbf16> to vector<128x64xbf16>
    %dot_general3A_357 = arith.constant dense<0.000000e+00> : vector<16x64xf32>
    %dot_general3A_358 = tpu.matmul %slice3A_355, %slice3A_356, %dot_general3A_357 {dimension_numbers = #tpu.dot_dimension_numbers<[1], [0], [0], [1], [0, 0, 1, 1], [], []>, transpose_lhs_hint = false} : vector<16x128xbf16>, vector<128x64xbf16>, vector<16x64xf32> -> vector<16x64xf32>
    %slice3A_359 = vector.extract_strided_slice %dot_general3A_284 {offsets = [0, 10], sizes = [16, 1], strides = [1, 1]} : vector<16x32xf32> to vector<16x1xf32>
    %div3A_360 = vector.broadcast %slice3A_359 : vector<16x1xf32> to vector<16x64xf32>
    %div3A_361 = arith.divf %dot_general3A_358, %div3A_360 : vector<16x64xf32>
    %slice3A_362 = vector.extract_strided_slice %convert_element_type3A_279 {offsets = [0, 1408], sizes = [16, 128], strides = [1, 1]} : vector<16x4096xbf16> to vector<16x128xbf16>
    %slice3A_363 = vector.extract_strided_slice %convert_element_type3A_41 {offsets = [1408, 64], sizes = [128, 64], strides = [1, 1]} : vector<4096x128xbf16> to vector<128x64xbf16>
    %dot_general3A_364 = arith.constant dense<0.000000e+00> : vector<16x64xf32>
    %dot_general3A_365 = tpu.matmul %slice3A_362, %slice3A_363, %dot_general3A_364 {dimension_numbers = #tpu.dot_dimension_numbers<[1], [0], [0], [1], [0, 0, 1, 1], [], []>, transpose_lhs_hint = false} : vector<16x128xbf16>, vector<128x64xbf16>, vector<16x64xf32> -> vector<16x64xf32>
    %slice3A_366 = vector.extract_strided_slice %dot_general3A_284 {offsets = [0, 11], sizes = [16, 1], strides = [1, 1]} : vector<16x32xf32> to vector<16x1xf32>
    %div3A_367 = vector.broadcast %slice3A_366 : vector<16x1xf32> to vector<16x64xf32>
    %div3A_368 = arith.divf %dot_general3A_365, %div3A_367 : vector<16x64xf32>
    %slice3A_369 = vector.extract_strided_slice %convert_element_type3A_279 {offsets = [0, 1536], sizes = [16, 128], strides = [1, 1]} : vector<16x4096xbf16> to vector<16x128xbf16>
    %slice3A_370 = vector.extract_strided_slice %convert_element_type3A_41 {offsets = [1536, 64], sizes = [128, 64], strides = [1, 1]} : vector<4096x128xbf16> to vector<128x64xbf16>
    %dot_general3A_371 = arith.constant dense<0.000000e+00> : vector<16x64xf32>
    %dot_general3A_372 = tpu.matmul %slice3A_369, %slice3A_370, %dot_general3A_371 {dimension_numbers = #tpu.dot_dimension_numbers<[1], [0], [0], [1], [0, 0, 1, 1], [], []>, transpose_lhs_hint = false} : vector<16x128xbf16>, vector<128x64xbf16>, vector<16x64xf32> -> vector<16x64xf32>
    %slice3A_373 = vector.extract_strided_slice %dot_general3A_284 {offsets = [0, 12], sizes = [16, 1], strides = [1, 1]} : vector<16x32xf32> to vector<16x1xf32>
    %div3A_374 = vector.broadcast %slice3A_373 : vector<16x1xf32> to vector<16x64xf32>
    %div3A_375 = arith.divf %dot_general3A_372, %div3A_374 : vector<16x64xf32>
    %slice3A_376 = vector.extract_strided_slice %convert_element_type3A_279 {offsets = [0, 1664], sizes = [16, 128], strides = [1, 1]} : vector<16x4096xbf16> to vector<16x128xbf16>
    %slice3A_377 = vector.extract_strided_slice %convert_element_type3A_41 {offsets = [1664, 64], sizes = [128, 64], strides = [1, 1]} : vector<4096x128xbf16> to vector<128x64xbf16>
    %dot_general3A_378 = arith.constant dense<0.000000e+00> : vector<16x64xf32>
    %dot_general3A_379 = tpu.matmul %slice3A_376, %slice3A_377, %dot_general3A_378 {dimension_numbers = #tpu.dot_dimension_numbers<[1], [0], [0], [1], [0, 0, 1, 1], [], []>, transpose_lhs_hint = false} : vector<16x128xbf16>, vector<128x64xbf16>, vector<16x64xf32> -> vector<16x64xf32>
    %slice3A_380 = vector.extract_strided_slice %dot_general3A_284 {offsets = [0, 13], sizes = [16, 1], strides = [1, 1]} : vector<16x32xf32> to vector<16x1xf32>
    %div3A_381 = vector.broadcast %slice3A_380 : vector<16x1xf32> to vector<16x64xf32>
    %div3A_382 = arith.divf %dot_general3A_379, %div3A_381 : vector<16x64xf32>
    %slice3A_383 = vector.extract_strided_slice %convert_element_type3A_279 {offsets = [0, 1792], sizes = [16, 128], strides = [1, 1]} : vector<16x4096xbf16> to vector<16x128xbf16>
    %slice3A_384 = vector.extract_strided_slice %convert_element_type3A_41 {offsets = [1792, 64], sizes = [128, 64], strides = [1, 1]} : vector<4096x128xbf16> to vector<128x64xbf16>
    %dot_general3A_385 = arith.constant dense<0.000000e+00> : vector<16x64xf32>
    %dot_general3A_386 = tpu.matmul %slice3A_383, %slice3A_384, %dot_general3A_385 {dimension_numbers = #tpu.dot_dimension_numbers<[1], [0], [0], [1], [0, 0, 1, 1], [], []>, transpose_lhs_hint = false} : vector<16x128xbf16>, vector<128x64xbf16>, vector<16x64xf32> -> vector<16x64xf32>
    %slice3A_387 = vector.extract_strided_slice %dot_general3A_284 {offsets = [0, 14], sizes = [16, 1], strides = [1, 1]} : vector<16x32xf32> to vector<16x1xf32>
    %div3A_388 = vector.broadcast %slice3A_387 : vector<16x1xf32> to vector<16x64xf32>
    %div3A_389 = arith.divf %dot_general3A_386, %div3A_388 : vector<16x64xf32>
    %slice3A_390 = vector.extract_strided_slice %convert_element_type3A_279 {offsets = [0, 1920], sizes = [16, 128], strides = [1, 1]} : vector<16x4096xbf16> to vector<16x128xbf16>
    %slice3A_391 = vector.extract_strided_slice %convert_element_type3A_41 {offsets = [1920, 64], sizes = [128, 64], strides = [1, 1]} : vector<4096x128xbf16> to vector<128x64xbf16>
    %dot_general3A_392 = arith.constant dense<0.000000e+00> : vector<16x64xf32>
    %dot_general3A_393 = tpu.matmul %slice3A_390, %slice3A_391, %dot_general3A_392 {dimension_numbers = #tpu.dot_dimension_numbers<[1], [0], [0], [1], [0, 0, 1, 1], [], []>, transpose_lhs_hint = false} : vector<16x128xbf16>, vector<128x64xbf16>, vector<16x64xf32> -> vector<16x64xf32>
    %slice3A_394 = vector.extract_strided_slice %dot_general3A_284 {offsets = [0, 15], sizes = [16, 1], strides = [1, 1]} : vector<16x32xf32> to vector<16x1xf32>
    %div3A_395 = vector.broadcast %slice3A_394 : vector<16x1xf32> to vector<16x64xf32>
    %div3A_396 = arith.divf %dot_general3A_393, %div3A_395 : vector<16x64xf32>
    %slice3A_397 = vector.extract_strided_slice %convert_element_type3A_279 {offsets = [0, 2048], sizes = [16, 128], strides = [1, 1]} : vector<16x4096xbf16> to vector<16x128xbf16>
    %slice3A_398 = vector.extract_strided_slice %convert_element_type3A_41 {offsets = [2048, 64], sizes = [128, 64], strides = [1, 1]} : vector<4096x128xbf16> to vector<128x64xbf16>
    %dot_general3A_399 = arith.constant dense<0.000000e+00> : vector<16x64xf32>
    %dot_general3A_400 = tpu.matmul %slice3A_397, %slice3A_398, %dot_general3A_399 {dimension_numbers = #tpu.dot_dimension_numbers<[1], [0], [0], [1], [0, 0, 1, 1], [], []>, transpose_lhs_hint = false} : vector<16x128xbf16>, vector<128x64xbf16>, vector<16x64xf32> -> vector<16x64xf32>
    %slice3A_401 = vector.extract_strided_slice %dot_general3A_284 {offsets = [0, 16], sizes = [16, 1], strides = [1, 1]} : vector<16x32xf32> to vector<16x1xf32>
    %div3A_402 = vector.broadcast %slice3A_401 : vector<16x1xf32> to vector<16x64xf32>
    %div3A_403 = arith.divf %dot_general3A_400, %div3A_402 : vector<16x64xf32>
    %slice3A_404 = vector.extract_strided_slice %convert_element_type3A_279 {offsets = [0, 2176], sizes = [16, 128], strides = [1, 1]} : vector<16x4096xbf16> to vector<16x128xbf16>
    %slice3A_405 = vector.extract_strided_slice %convert_element_type3A_41 {offsets = [2176, 64], sizes = [128, 64], strides = [1, 1]} : vector<4096x128xbf16> to vector<128x64xbf16>
    %dot_general3A_406 = arith.constant dense<0.000000e+00> : vector<16x64xf32>
    %dot_general3A_407 = tpu.matmul %slice3A_404, %slice3A_405, %dot_general3A_406 {dimension_numbers = #tpu.dot_dimension_numbers<[1], [0], [0], [1], [0, 0, 1, 1], [], []>, transpose_lhs_hint = false} : vector<16x128xbf16>, vector<128x64xbf16>, vector<16x64xf32> -> vector<16x64xf32>
    %slice3A_408 = vector.extract_strided_slice %dot_general3A_284 {offsets = [0, 17], sizes = [16, 1], strides = [1, 1]} : vector<16x32xf32> to vector<16x1xf32>
    %div3A_409 = vector.broadcast %slice3A_408 : vector<16x1xf32> to vector<16x64xf32>
    %div3A_410 = arith.divf %dot_general3A_407, %div3A_409 : vector<16x64xf32>
    %slice3A_411 = vector.extract_strided_slice %convert_element_type3A_279 {offsets = [0, 2304], sizes = [16, 128], strides = [1, 1]} : vector<16x4096xbf16> to vector<16x128xbf16>
    %slice3A_412 = vector.extract_strided_slice %convert_element_type3A_41 {offsets = [2304, 64], sizes = [128, 64], strides = [1, 1]} : vector<4096x128xbf16> to vector<128x64xbf16>
    %dot_general3A_413 = arith.constant dense<0.000000e+00> : vector<16x64xf32>
    %dot_general3A_414 = tpu.matmul %slice3A_411, %slice3A_412, %dot_general3A_413 {dimension_numbers = #tpu.dot_dimension_numbers<[1], [0], [0], [1], [0, 0, 1, 1], [], []>, transpose_lhs_hint = false} : vector<16x128xbf16>, vector<128x64xbf16>, vector<16x64xf32> -> vector<16x64xf32>
    %slice3A_415 = vector.extract_strided_slice %dot_general3A_284 {offsets = [0, 18], sizes = [16, 1], strides = [1, 1]} : vector<16x32xf32> to vector<16x1xf32>
    %div3A_416 = vector.broadcast %slice3A_415 : vector<16x1xf32> to vector<16x64xf32>
    %div3A_417 = arith.divf %dot_general3A_414, %div3A_416 : vector<16x64xf32>
    %slice3A_418 = vector.extract_strided_slice %convert_element_type3A_279 {offsets = [0, 2432], sizes = [16, 128], strides = [1, 1]} : vector<16x4096xbf16> to vector<16x128xbf16>
    %slice3A_419 = vector.extract_strided_slice %convert_element_type3A_41 {offsets = [2432, 64], sizes = [128, 64], strides = [1, 1]} : vector<4096x128xbf16> to vector<128x64xbf16>
    %dot_general3A_420 = arith.constant dense<0.000000e+00> : vector<16x64xf32>
    %dot_general3A_421 = tpu.matmul %slice3A_418, %slice3A_419, %dot_general3A_420 {dimension_numbers = #tpu.dot_dimension_numbers<[1], [0], [0], [1], [0, 0, 1, 1], [], []>, transpose_lhs_hint = false} : vector<16x128xbf16>, vector<128x64xbf16>, vector<16x64xf32> -> vector<16x64xf32>
    %slice3A_422 = vector.extract_strided_slice %dot_general3A_284 {offsets = [0, 19], sizes = [16, 1], strides = [1, 1]} : vector<16x32xf32> to vector<16x1xf32>
    %div3A_423 = vector.broadcast %slice3A_422 : vector<16x1xf32> to vector<16x64xf32>
    %div3A_424 = arith.divf %dot_general3A_421, %div3A_423 : vector<16x64xf32>
    %slice3A_425 = vector.extract_strided_slice %convert_element_type3A_279 {offsets = [0, 2560], sizes = [16, 128], strides = [1, 1]} : vector<16x4096xbf16> to vector<16x128xbf16>
    %slice3A_426 = vector.extract_strided_slice %convert_element_type3A_41 {offsets = [2560, 64], sizes = [128, 64], strides = [1, 1]} : vector<4096x128xbf16> to vector<128x64xbf16>
    %dot_general3A_427 = arith.constant dense<0.000000e+00> : vector<16x64xf32>
    %dot_general3A_428 = tpu.matmul %slice3A_425, %slice3A_426, %dot_general3A_427 {dimension_numbers = #tpu.dot_dimension_numbers<[1], [0], [0], [1], [0, 0, 1, 1], [], []>, transpose_lhs_hint = false} : vector<16x128xbf16>, vector<128x64xbf16>, vector<16x64xf32> -> vector<16x64xf32>
    %slice3A_429 = vector.extract_strided_slice %dot_general3A_284 {offsets = [0, 20], sizes = [16, 1], strides = [1, 1]} : vector<16x32xf32> to vector<16x1xf32>
    %div3A_430 = vector.broadcast %slice3A_429 : vector<16x1xf32> to vector<16x64xf32>
    %div3A_431 = arith.divf %dot_general3A_428, %div3A_430 : vector<16x64xf32>
    %slice3A_432 = vector.extract_strided_slice %convert_element_type3A_279 {offsets = [0, 2688], sizes = [16, 128], strides = [1, 1]} : vector<16x4096xbf16> to vector<16x128xbf16>
    %slice3A_433 = vector.extract_strided_slice %convert_element_type3A_41 {offsets = [2688, 64], sizes = [128, 64], strides = [1, 1]} : vector<4096x128xbf16> to vector<128x64xbf16>
    %dot_general3A_434 = arith.constant dense<0.000000e+00> : vector<16x64xf32>
    %dot_general3A_435 = tpu.matmul %slice3A_432, %slice3A_433, %dot_general3A_434 {dimension_numbers = #tpu.dot_dimension_numbers<[1], [0], [0], [1], [0, 0, 1, 1], [], []>, transpose_lhs_hint = false} : vector<16x128xbf16>, vector<128x64xbf16>, vector<16x64xf32> -> vector<16x64xf32>
    %slice3A_436 = vector.extract_strided_slice %dot_general3A_284 {offsets = [0, 21], sizes = [16, 1], strides = [1, 1]} : vector<16x32xf32> to vector<16x1xf32>
    %div3A_437 = vector.broadcast %slice3A_436 : vector<16x1xf32> to vector<16x64xf32>
    %div3A_438 = arith.divf %dot_general3A_435, %div3A_437 : vector<16x64xf32>
    %slice3A_439 = vector.extract_strided_slice %convert_element_type3A_279 {offsets = [0, 2816], sizes = [16, 128], strides = [1, 1]} : vector<16x4096xbf16> to vector<16x128xbf16>
    %slice3A_440 = vector.extract_strided_slice %convert_element_type3A_41 {offsets = [2816, 64], sizes = [128, 64], strides = [1, 1]} : vector<4096x128xbf16> to vector<128x64xbf16>
    %dot_general3A_441 = arith.constant dense<0.000000e+00> : vector<16x64xf32>
    %dot_general3A_442 = tpu.matmul %slice3A_439, %slice3A_440, %dot_general3A_441 {dimension_numbers = #tpu.dot_dimension_numbers<[1], [0], [0], [1], [0, 0, 1, 1], [], []>, transpose_lhs_hint = false} : vector<16x128xbf16>, vector<128x64xbf16>, vector<16x64xf32> -> vector<16x64xf32>
    %slice3A_443 = vector.extract_strided_slice %dot_general3A_284 {offsets = [0, 22], sizes = [16, 1], strides = [1, 1]} : vector<16x32xf32> to vector<16x1xf32>
    %div3A_444 = vector.broadcast %slice3A_443 : vector<16x1xf32> to vector<16x64xf32>
    %div3A_445 = arith.divf %dot_general3A_442, %div3A_444 : vector<16x64xf32>
    %slice3A_446 = vector.extract_strided_slice %convert_element_type3A_279 {offsets = [0, 2944], sizes = [16, 128], strides = [1, 1]} : vector<16x4096xbf16> to vector<16x128xbf16>
    %slice3A_447 = vector.extract_strided_slice %convert_element_type3A_41 {offsets = [2944, 64], sizes = [128, 64], strides = [1, 1]} : vector<4096x128xbf16> to vector<128x64xbf16>
    %dot_general3A_448 = arith.constant dense<0.000000e+00> : vector<16x64xf32>
    %dot_general3A_449 = tpu.matmul %slice3A_446, %slice3A_447, %dot_general3A_448 {dimension_numbers = #tpu.dot_dimension_numbers<[1], [0], [0], [1], [0, 0, 1, 1], [], []>, transpose_lhs_hint = false} : vector<16x128xbf16>, vector<128x64xbf16>, vector<16x64xf32> -> vector<16x64xf32>
    %slice3A_450 = vector.extract_strided_slice %dot_general3A_284 {offsets = [0, 23], sizes = [16, 1], strides = [1, 1]} : vector<16x32xf32> to vector<16x1xf32>
    %div3A_451 = vector.broadcast %slice3A_450 : vector<16x1xf32> to vector<16x64xf32>
    %div3A_452 = arith.divf %dot_general3A_449, %div3A_451 : vector<16x64xf32>
    %slice3A_453 = vector.extract_strided_slice %convert_element_type3A_279 {offsets = [0, 3072], sizes = [16, 128], strides = [1, 1]} : vector<16x4096xbf16> to vector<16x128xbf16>
    %slice3A_454 = vector.extract_strided_slice %convert_element_type3A_41 {offsets = [3072, 64], sizes = [128, 64], strides = [1, 1]} : vector<4096x128xbf16> to vector<128x64xbf16>
    %dot_general3A_455 = arith.constant dense<0.000000e+00> : vector<16x64xf32>
    %dot_general3A_456 = tpu.matmul %slice3A_453, %slice3A_454, %dot_general3A_455 {dimension_numbers = #tpu.dot_dimension_numbers<[1], [0], [0], [1], [0, 0, 1, 1], [], []>, transpose_lhs_hint = false} : vector<16x128xbf16>, vector<128x64xbf16>, vector<16x64xf32> -> vector<16x64xf32>
    %slice3A_457 = vector.extract_strided_slice %dot_general3A_284 {offsets = [0, 24], sizes = [16, 1], strides = [1, 1]} : vector<16x32xf32> to vector<16x1xf32>
    %div3A_458 = vector.broadcast %slice3A_457 : vector<16x1xf32> to vector<16x64xf32>
    %div3A_459 = arith.divf %dot_general3A_456, %div3A_458 : vector<16x64xf32>
    %slice3A_460 = vector.extract_strided_slice %convert_element_type3A_279 {offsets = [0, 3200], sizes = [16, 128], strides = [1, 1]} : vector<16x4096xbf16> to vector<16x128xbf16>
    %slice3A_461 = vector.extract_strided_slice %convert_element_type3A_41 {offsets = [3200, 64], sizes = [128, 64], strides = [1, 1]} : vector<4096x128xbf16> to vector<128x64xbf16>
    %dot_general3A_462 = arith.constant dense<0.000000e+00> : vector<16x64xf32>
    %dot_general3A_463 = tpu.matmul %slice3A_460, %slice3A_461, %dot_general3A_462 {dimension_numbers = #tpu.dot_dimension_numbers<[1], [0], [0], [1], [0, 0, 1, 1], [], []>, transpose_lhs_hint = false} : vector<16x128xbf16>, vector<128x64xbf16>, vector<16x64xf32> -> vector<16x64xf32>
    %slice3A_464 = vector.extract_strided_slice %dot_general3A_284 {offsets = [0, 25], sizes = [16, 1], strides = [1, 1]} : vector<16x32xf32> to vector<16x1xf32>
    %div3A_465 = vector.broadcast %slice3A_464 : vector<16x1xf32> to vector<16x64xf32>
    %div3A_466 = arith.divf %dot_general3A_463, %div3A_465 : vector<16x64xf32>
    %slice3A_467 = vector.extract_strided_slice %convert_element_type3A_279 {offsets = [0, 3328], sizes = [16, 128], strides = [1, 1]} : vector<16x4096xbf16> to vector<16x128xbf16>
    %slice3A_468 = vector.extract_strided_slice %convert_element_type3A_41 {offsets = [3328, 64], sizes = [128, 64], strides = [1, 1]} : vector<4096x128xbf16> to vector<128x64xbf16>
    %dot_general3A_469 = arith.constant dense<0.000000e+00> : vector<16x64xf32>
    %dot_general3A_470 = tpu.matmul %slice3A_467, %slice3A_468, %dot_general3A_469 {dimension_numbers = #tpu.dot_dimension_numbers<[1], [0], [0], [1], [0, 0, 1, 1], [], []>, transpose_lhs_hint = false} : vector<16x128xbf16>, vector<128x64xbf16>, vector<16x64xf32> -> vector<16x64xf32>
    %slice3A_471 = vector.extract_strided_slice %dot_general3A_284 {offsets = [0, 26], sizes = [16, 1], strides = [1, 1]} : vector<16x32xf32> to vector<16x1xf32>
    %div3A_472 = vector.broadcast %slice3A_471 : vector<16x1xf32> to vector<16x64xf32>
    %div3A_473 = arith.divf %dot_general3A_470, %div3A_472 : vector<16x64xf32>
    %slice3A_474 = vector.extract_strided_slice %convert_element_type3A_279 {offsets = [0, 3456], sizes = [16, 128], strides = [1, 1]} : vector<16x4096xbf16> to vector<16x128xbf16>
    %slice3A_475 = vector.extract_strided_slice %convert_element_type3A_41 {offsets = [3456, 64], sizes = [128, 64], strides = [1, 1]} : vector<4096x128xbf16> to vector<128x64xbf16>
    %dot_general3A_476 = arith.constant dense<0.000000e+00> : vector<16x64xf32>
    %dot_general3A_477 = tpu.matmul %slice3A_474, %slice3A_475, %dot_general3A_476 {dimension_numbers = #tpu.dot_dimension_numbers<[1], [0], [0], [1], [0, 0, 1, 1], [], []>, transpose_lhs_hint = false} : vector<16x128xbf16>, vector<128x64xbf16>, vector<16x64xf32> -> vector<16x64xf32>
    %slice3A_478 = vector.extract_strided_slice %dot_general3A_284 {offsets = [0, 27], sizes = [16, 1], strides = [1, 1]} : vector<16x32xf32> to vector<16x1xf32>
    %div3A_479 = vector.broadcast %slice3A_478 : vector<16x1xf32> to vector<16x64xf32>
    %div3A_480 = arith.divf %dot_general3A_477, %div3A_479 : vector<16x64xf32>
    %slice3A_481 = vector.extract_strided_slice %convert_element_type3A_279 {offsets = [0, 3584], sizes = [16, 128], strides = [1, 1]} : vector<16x4096xbf16> to vector<16x128xbf16>
    %slice3A_482 = vector.extract_strided_slice %convert_element_type3A_41 {offsets = [3584, 64], sizes = [128, 64], strides = [1, 1]} : vector<4096x128xbf16> to vector<128x64xbf16>
    %dot_general3A_483 = arith.constant dense<0.000000e+00> : vector<16x64xf32>
    %dot_general3A_484 = tpu.matmul %slice3A_481, %slice3A_482, %dot_general3A_483 {dimension_numbers = #tpu.dot_dimension_numbers<[1], [0], [0], [1], [0, 0, 1, 1], [], []>, transpose_lhs_hint = false} : vector<16x128xbf16>, vector<128x64xbf16>, vector<16x64xf32> -> vector<16x64xf32>
    %slice3A_485 = vector.extract_strided_slice %dot_general3A_284 {offsets = [0, 28], sizes = [16, 1], strides = [1, 1]} : vector<16x32xf32> to vector<16x1xf32>
    %div3A_486 = vector.broadcast %slice3A_485 : vector<16x1xf32> to vector<16x64xf32>
    %div3A_487 = arith.divf %dot_general3A_484, %div3A_486 : vector<16x64xf32>
    %slice3A_488 = vector.extract_strided_slice %convert_element_type3A_279 {offsets = [0, 3712], sizes = [16, 128], strides = [1, 1]} : vector<16x4096xbf16> to vector<16x128xbf16>
    %slice3A_489 = vector.extract_strided_slice %convert_element_type3A_41 {offsets = [3712, 64], sizes = [128, 64], strides = [1, 1]} : vector<4096x128xbf16> to vector<128x64xbf16>
    %dot_general3A_490 = arith.constant dense<0.000000e+00> : vector<16x64xf32>
    %dot_general3A_491 = tpu.matmul %slice3A_488, %slice3A_489, %dot_general3A_490 {dimension_numbers = #tpu.dot_dimension_numbers<[1], [0], [0], [1], [0, 0, 1, 1], [], []>, transpose_lhs_hint = false} : vector<16x128xbf16>, vector<128x64xbf16>, vector<16x64xf32> -> vector<16x64xf32>
    %slice3A_492 = vector.extract_strided_slice %dot_general3A_284 {offsets = [0, 29], sizes = [16, 1], strides = [1, 1]} : vector<16x32xf32> to vector<16x1xf32>
    %div3A_493 = vector.broadcast %slice3A_492 : vector<16x1xf32> to vector<16x64xf32>
    %div3A_494 = arith.divf %dot_general3A_491, %div3A_493 : vector<16x64xf32>
    %slice3A_495 = vector.extract_strided_slice %convert_element_type3A_279 {offsets = [0, 3840], sizes = [16, 128], strides = [1, 1]} : vector<16x4096xbf16> to vector<16x128xbf16>
    %slice3A_496 = vector.extract_strided_slice %convert_element_type3A_41 {offsets = [3840, 64], sizes = [128, 64], strides = [1, 1]} : vector<4096x128xbf16> to vector<128x64xbf16>
    %dot_general3A_497 = arith.constant dense<0.000000e+00> : vector<16x64xf32>
    %dot_general3A_498 = tpu.matmul %slice3A_495, %slice3A_496, %dot_general3A_497 {dimension_numbers = #tpu.dot_dimension_numbers<[1], [0], [0], [1], [0, 0, 1, 1], [], []>, transpose_lhs_hint = false} : vector<16x128xbf16>, vector<128x64xbf16>, vector<16x64xf32> -> vector<16x64xf32>
    %slice3A_499 = vector.extract_strided_slice %dot_general3A_284 {offsets = [0, 30], sizes = [16, 1], strides = [1, 1]} : vector<16x32xf32> to vector<16x1xf32>
    %div3A_500 = vector.broadcast %slice3A_499 : vector<16x1xf32> to vector<16x64xf32>
    %div3A_501 = arith.divf %dot_general3A_498, %div3A_500 : vector<16x64xf32>
    %slice3A_502 = vector.extract_strided_slice %convert_element_type3A_279 {offsets = [0, 3968], sizes = [16, 128], strides = [1, 1]} : vector<16x4096xbf16> to vector<16x128xbf16>
    %slice3A_503 = vector.extract_strided_slice %convert_element_type3A_41 {offsets = [3968, 64], sizes = [128, 64], strides = [1, 1]} : vector<4096x128xbf16> to vector<128x64xbf16>
    %dot_general3A_504 = arith.constant dense<0.000000e+00> : vector<16x64xf32>
    %dot_general3A_505 = tpu.matmul %slice3A_502, %slice3A_503, %dot_general3A_504 {dimension_numbers = #tpu.dot_dimension_numbers<[1], [0], [0], [1], [0, 0, 1, 1], [], []>, transpose_lhs_hint = false} : vector<16x128xbf16>, vector<128x64xbf16>, vector<16x64xf32> -> vector<16x64xf32>
    %slice3A_506 = vector.extract_strided_slice %dot_general3A_284 {offsets = [0, 31], sizes = [16, 1], strides = [1, 1]} : vector<16x32xf32> to vector<16x1xf32>
    %div3A_507 = vector.broadcast %slice3A_506 : vector<16x1xf32> to vector<16x64xf32>
    %div3A_508 = arith.divf %dot_general3A_505, %div3A_507 : vector<16x64xf32>
    %concatenate3A_509 = tpu.concatenate %div3A_291, %div3A_298, %div3A_305, %div3A_312, %div3A_319, %div3A_326, %div3A_333, %div3A_340, %div3A_347, %div3A_354, %div3A_361, %div3A_368, %div3A_375, %div3A_382, %div3A_389, %div3A_396, %div3A_403, %div3A_410, %div3A_417, %div3A_424, %div3A_431, %div3A_438, %div3A_445, %div3A_452, %div3A_459, %div3A_466, %div3A_473, %div3A_480, %div3A_487, %div3A_494, %div3A_501, %div3A_508 in 0 : vector<16x64xf32>, vector<16x64xf32>, vector<16x64xf32>, vector<16x64xf32>, vector<16x64xf32>, vector<16x64xf32>, vector<16x64xf32>, vector<16x64xf32>, vector<16x64xf32>, vector<16x64xf32>, vector<16x64xf32>, vector<16x64xf32>, vector<16x64xf32>, vector<16x64xf32>, vector<16x64xf32>, vector<16x64xf32>, vector<16x64xf32>, vector<16x64xf32>, vector<16x64xf32>, vector<16x64xf32>, vector<16x64xf32>, vector<16x64xf32>, vector<16x64xf32>, vector<16x64xf32>, vector<16x64xf32>, vector<16x64xf32>, vector<16x64xf32>, vector<16x64xf32>, vector<16x64xf32>, vector<16x64xf32>, vector<16x64xf32>, vector<16x64xf32> -> vector<512x64xf32>
    %concatenate3A_510 = tpu.concatenate %concatenate3A, %concatenate3A_509 in 1 : vector<512x64xf32>, vector<512x64xf32> -> vector<512x128xf32>
    %convert_element_type3A_511 = arith.truncf %concatenate3A_510 : vector<512x128xf32> to vector<512x128xbf16>
    %get3A_512 = arith.constant 1584 : index
    %get3A_513 = arith.constant 0 : index
    %get3A_514 = vector.load %arg3[%get3A_512, %get3A_513] : memref<1968x128xbf16, #tpu.memory_space<vmem>>, vector<128x128xbf16>
    %dot_general3A_515 = arith.constant dense<0.000000e+00> : vector<512x128xf32>
    %dot_general3A_516 = tpu.matmul %convert_element_type3A_511, %get3A_514, %dot_general3A_515 {dimension_numbers = #tpu.dot_dimension_numbers<[1], [1], [0], [0], [0, 0, 1, 0], [], []>, transpose_lhs_hint = false} : vector<512x128xbf16>, vector<128x128xbf16>, vector<512x128xf32> -> vector<512x128xf32>
    %get3A_517 = arith.constant 0 : index
    %get3A_518 = arith.constant 0 : index
    %get3A_519 = vector.load %arg5[%get3A_517, %get3A_518] : memref<1x128xf32, #tpu.memory_space<vmem>>, vector<1x128xf32>
    %add3A_520 = vector.broadcast %get3A_519 : vector<1x128xf32> to vector<512x128xf32>
    %add3A_521 = arith.addf %dot_general3A_516, %add3A_520 : vector<512x128xf32>
    %reshape3A_522 = vector.shape_cast %add3A_521 : vector<512x128xf32> to vector<32x16x128xf32>
    %swap3A = arith.constant 0 : index
    %swap3A_523 = arith.constant 0 : index
    %swap3A_524 = arith.constant 0 : index
    %swap3A_525 = vector.load %arg7[%swap3A, %swap3A_523, %swap3A_524] : memref<32x16x128xf32, #tpu.memory_space<vmem>>, vector<32x16x128xf32>
    tpu.vector_store %arg7[%swap3A, %swap3A_523, %swap3A_524], %reshape3A_522 {strides = array<i32>} : memref<32x16x128xf32, #tpu.memory_space<vmem>>, vector<32x16x128xf32>,
    return
  }
  func.func @transform_0(%arg0: i32) -> (i32, i32, i32) {
    %c0_i32 = arith.constant 0 : i32
    %c0_i32_0 = arith.constant 0 : i32
    %c0_i32_1 = arith.constant 0 : i32
    return %arg0, %c0_i32, %c0_i32_0 : i32, i32, i32
  }
  func.func @transform_1(%arg0: i32) -> (i32, i32, i32) {
    %c0_i32 = arith.constant 0 : i32
    %c0_i32_0 = arith.constant 0 : i32
    %c0_i32_1 = arith.constant 0 : i32
    %c0_i32_2 = arith.constant 0 : i32
    return %c0_i32, %c0_i32_0, %c0_i32_1 : i32, i32, i32
  }
  func.func @transform_2(%arg0: i32) -> (i32, i32) {
    %c0_i32 = arith.constant 0 : i32
    %c0_i32_0 = arith.constant 0 : i32
    %c0_i32_1 = arith.constant 0 : i32
    return %c0_i32, %c0_i32_0 : i32, i32
  }
  func.func @transform_3(%arg0: i32) -> (i32, i32) {
    %c0_i32 = arith.constant 0 : i32
    %c0_i32_0 = arith.constant 0 : i32
    %c0_i32_1 = arith.constant 0 : i32
    return %c0_i32, %c0_i32_0 : i32, i32
  }
  func.func @transform_4(%arg0: i32) -> (i32, i32) {
    %c0_i32 = arith.constant 0 : i32
    %c0_i32_0 = arith.constant 0 : i32
    %c0_i32_1 = arith.constant 0 : i32
    return %c0_i32, %c0_i32_0 : i32, i32
  }
  func.func @transform_5(%arg0: i32) -> (i32, i32) {
    %c0_i32 = arith.constant 0 : i32
    %c0_i32_0 = arith.constant 0 : i32
    %c0_i32_1 = arith.constant 0 : i32
    return %c0_i32, %c0_i32_0 : i32, i32
  }
  func.func @transform_6(%arg0: i32) -> (i32, i32, i32) {
    %c0_i32 = arith.constant 0 : i32
    %c0_i32_0 = arith.constant 0 : i32
    %c0_i32_1 = arith.constant 0 : i32
    return %arg0, %c0_i32, %c0_i32_0 : i32, i32, i32
  }
}

module attributes {stable_mosaic.version = 14 : i64} {
  func.func @_proj_body(%arg0: i32, %arg1: memref<5000x128xf32, #tpu.memory_space<vmem>>, %arg2: memref<1968x128xbf16, #tpu.memory_space<vmem>>, %arg3: memref<1x128xf32, #tpu.memory_space<vmem>>, %arg4: memref<5000x128xf32, #tpu.memory_space<vmem>>, %arg5: memref<5000x128xf32, #tpu.memory_space<vmem>>) attributes {dimension_semantics = [#tpu.dimension_semantics<arbitrary>], iteration_bounds = array<i64: 2>, scalar_prefetch = 0 : i64, scratch_operands = 0 : i64, tpu.core_type = #tpu.core_type<tc>, window_params = [{transform_indices = @transform_0, window_bounds = array<i64: 5000, 128>}, {pipeline_mode = #tpu.pipeline_mode<synchronous>, transform_indices = @transform_1, window_bounds = array<i64: 1968, 128>}, {pipeline_mode = #tpu.pipeline_mode<synchronous>, transform_indices = @transform_2, window_bounds = array<i64: 1, 128>}, {transform_indices = @transform_3, window_bounds = array<i64: 5000, 128>}, {transform_indices = @transform_4, window_bounds = array<i64: 5000, 128>}]} {
    %get3A = arith.constant 0 : index
    %get3A_0 = arith.constant 0 : index
    %get3A_1 = vector.load %arg1[%get3A, %get3A_0] : memref<5000x128xf32, #tpu.memory_space<vmem>>, vector<5000x128xf32>
    %max3A = arith.constant 0.000000e+00 : f32
    %max3A_2 = vector.broadcast %max3A : f32 to vector<5000x128xf32>
    %max3A_3 = arith.maximumf %get3A_1, %max3A_2 : vector<5000x128xf32>
    %convert_element_type3A = arith.truncf %max3A_3 : vector<5000x128xf32> to vector<5000x128xbf16>
    %get3A_4 = arith.constant 1712 : index
    %get3A_5 = arith.constant 0 : index
    %get3A_6 = vector.load %arg2[%get3A_4, %get3A_5] : memref<1968x128xbf16, #tpu.memory_space<vmem>>, vector<128x128xbf16>
    %dot_general3A = arith.constant dense<0.000000e+00> : vector<5000x128xf32>
    %dot_general3A_7 = tpu.matmul %convert_element_type3A, %get3A_6, %dot_general3A {dimension_numbers = #tpu.dot_dimension_numbers<[1], [0], [0], [1], [0, 0, 1, 1], [], []>, transpose_lhs_hint = false} : vector<5000x128xbf16>, vector<128x128xbf16>, vector<5000x128xf32> -> vector<5000x128xf32>
    %get3A_8 = arith.constant 0 : index
    %get3A_9 = arith.constant 0 : index
    %get3A_10 = vector.load %arg3[%get3A_8, %get3A_9] : memref<1x128xf32, #tpu.memory_space<vmem>>, vector<1x128xf32>
    %add3A = vector.broadcast %get3A_10 : vector<1x128xf32> to vector<5000x128xf32>
    %add3A_11 = arith.addf %dot_general3A_7, %add3A : vector<5000x128xf32>
    %swap3A = arith.constant 0 : index
    %swap3A_12 = arith.constant 0 : index
    %swap3A_13 = vector.load %arg4[%swap3A, %swap3A_12] : memref<5000x128xf32, #tpu.memory_space<vmem>>, vector<5000x128xf32>
    tpu.vector_store %arg4[%swap3A, %swap3A_12], %add3A_11 {strides = array<i32>} : memref<5000x128xf32, #tpu.memory_space<vmem>>, vector<5000x128xf32>,
    %get3A_14 = arith.constant 1840 : index
    %get3A_15 = arith.constant 0 : index
    %get3A_16 = vector.load %arg2[%get3A_14, %get3A_15] : memref<1968x128xbf16, #tpu.memory_space<vmem>>, vector<128x128xbf16>
    %dot_general3A_17 = arith.constant dense<0.000000e+00> : vector<5000x128xf32>
    %dot_general3A_18 = tpu.matmul %convert_element_type3A, %get3A_16, %dot_general3A_17 {dimension_numbers = #tpu.dot_dimension_numbers<[1], [0], [0], [1], [0, 0, 1, 1], [], []>, transpose_lhs_hint = false} : vector<5000x128xbf16>, vector<128x128xbf16>, vector<5000x128xf32> -> vector<5000x128xf32>
    %swap3A_19 = arith.constant 0 : index
    %swap3A_20 = arith.constant 0 : index
    %swap3A_21 = vector.load %arg5[%swap3A_19, %swap3A_20] : memref<5000x128xf32, #tpu.memory_space<vmem>>, vector<5000x128xf32>
    tpu.vector_store %arg5[%swap3A_19, %swap3A_20], %dot_general3A_18 {strides = array<i32>} : memref<5000x128xf32, #tpu.memory_space<vmem>>, vector<5000x128xf32>,
    return
  }
  func.func @transform_0(%arg0: i32) -> (i32, i32) {
    %c0_i32 = arith.constant 0 : i32
    %c0_i32_0 = arith.constant 0 : i32
    return %arg0, %c0_i32 : i32, i32
  }
  func.func @transform_1(%arg0: i32) -> (i32, i32) {
    %c0_i32 = arith.constant 0 : i32
    %c0_i32_0 = arith.constant 0 : i32
    %c0_i32_1 = arith.constant 0 : i32
    return %c0_i32, %c0_i32_0 : i32, i32
  }
  func.func @transform_2(%arg0: i32) -> (i32, i32) {
    %c0_i32 = arith.constant 0 : i32
    %c0_i32_0 = arith.constant 0 : i32
    %c0_i32_1 = arith.constant 0 : i32
    return %c0_i32, %c0_i32_0 : i32, i32
  }
  func.func @transform_3(%arg0: i32) -> (i32, i32) {
    %c0_i32 = arith.constant 0 : i32
    %c0_i32_0 = arith.constant 0 : i32
    return %arg0, %c0_i32 : i32, i32
  }
  func.func @transform_4(%arg0: i32) -> (i32, i32) {
    %c0_i32 = arith.constant 0 : i32
    %c0_i32_0 = arith.constant 0 : i32
    return %arg0, %c0_i32 : i32, i32
  }
}

module attributes {stable_mosaic.version = 14 : i64} {
  func.func @_bond_body(%arg0: i32, %arg1: memref<3x19200xi32, #tpu.memory_space<vmem>>, %arg2: memref<1968x128xbf16, #tpu.memory_space<vmem>>, %arg3: memref<19200x128xf32, #tpu.memory_space<vmem>>) attributes {dimension_semantics = [#tpu.dimension_semantics<arbitrary>], iteration_bounds = array<i64: 15>, scalar_prefetch = 0 : i64, scratch_operands = 0 : i64, tpu.core_type = #tpu.core_type<tc>, window_params = [{transform_indices = @transform_0, window_bounds = array<i64: 3, 19200>}, {pipeline_mode = #tpu.pipeline_mode<synchronous>, transform_indices = @transform_1, window_bounds = array<i64: 1968, 128>}, {transform_indices = @transform_2, window_bounds = array<i64: 19200, 128>}]} {
    %get3A = arith.constant 0 : index
    %get3A_0 = arith.constant 0 : index
    %get3A_1 = vector.load %arg1[%get3A, %get3A_0] : memref<3x19200xi32, #tpu.memory_space<vmem>>, vector<3x19200xi32>
    %iota3A = tpu.iota {dimensions = array<i32: 0>} : vector<16x19200xi32>
    %slice3A = vector.extract_strided_slice %get3A_1 {offsets = [0, 0], sizes = [1, 19200], strides = [1, 1]} : vector<3x19200xi32> to vector<1x19200xi32>
    %eq3A = vector.broadcast %slice3A : vector<1x19200xi32> to vector<16x19200xi32>
    %eq3A_2 = arith.cmpi eq, %eq3A, %iota3A : vector<16x19200xi32>
    %convert_element_type3A = arith.extui %eq3A_2 : vector<16x19200xi1> to vector<16x19200xi32>
    %convert_element_type3A_3 = arith.sitofp %convert_element_type3A : vector<16x19200xi32> to vector<16x19200xf32>
    %convert_element_type3A_4 = arith.truncf %convert_element_type3A_3 : vector<16x19200xf32> to vector<16x19200xbf16>
    %slice3A_5 = vector.extract_strided_slice %get3A_1 {offsets = [1, 0], sizes = [1, 19200], strides = [1, 1]} : vector<3x19200xi32> to vector<1x19200xi32>
    %eq3A_6 = vector.broadcast %slice3A_5 : vector<1x19200xi32> to vector<16x19200xi32>
    %eq3A_7 = arith.cmpi eq, %eq3A_6, %iota3A : vector<16x19200xi32>
    %convert_element_type3A_8 = arith.extui %eq3A_7 : vector<16x19200xi1> to vector<16x19200xi32>
    %convert_element_type3A_9 = arith.sitofp %convert_element_type3A_8 : vector<16x19200xi32> to vector<16x19200xf32>
    %convert_element_type3A_10 = arith.truncf %convert_element_type3A_9 : vector<16x19200xf32> to vector<16x19200xbf16>
    %slice3A_11 = vector.extract_strided_slice %get3A_1 {offsets = [2, 0], sizes = [1, 19200], strides = [1, 1]} : vector<3x19200xi32> to vector<1x19200xi32>
    %eq3A_12 = vector.broadcast %slice3A_11 : vector<1x19200xi32> to vector<16x19200xi32>
    %eq3A_13 = arith.cmpi eq, %eq3A_12, %iota3A : vector<16x19200xi32>
    %convert_element_type3A_14 = arith.extui %eq3A_13 : vector<16x19200xi1> to vector<16x19200xi32>
    %convert_element_type3A_15 = arith.sitofp %convert_element_type3A_14 : vector<16x19200xi32> to vector<16x19200xf32>
    %convert_element_type3A_16 = arith.truncf %convert_element_type3A_15 : vector<16x19200xf32> to vector<16x19200xbf16>
    %concatenate3A = tpu.concatenate %convert_element_type3A_4, %convert_element_type3A_10, %convert_element_type3A_16 in 0 : vector<16x19200xbf16>, vector<16x19200xbf16>, vector<16x19200xbf16> -> vector<48x19200xbf16>
    %get3A_17 = arith.constant 1152 : index
    %get3A_18 = arith.constant 0 : index
    %get3A_19 = vector.load %arg2[%get3A_17, %get3A_18] : memref<1968x128xbf16, #tpu.memory_space<vmem>>, vector<48x128xbf16>
    %dot_general3A = arith.constant dense<0.000000e+00> : vector<19200x128xf32>
    %dot_general3A_20 = tpu.matmul %concatenate3A, %get3A_19, %dot_general3A {dimension_numbers = #tpu.dot_dimension_numbers<[0], [0], [1], [1], [0, 1, 1, 1], [], []>, transpose_lhs_hint = false} : vector<48x19200xbf16>, vector<48x128xbf16>, vector<19200x128xf32> -> vector<19200x128xf32>
    %swap3A = arith.constant 0 : index
    %swap3A_21 = arith.constant 0 : index
    %swap3A_22 = vector.load %arg3[%swap3A, %swap3A_21] : memref<19200x128xf32, #tpu.memory_space<vmem>>, vector<19200x128xf32>
    tpu.vector_store %arg3[%swap3A, %swap3A_21], %dot_general3A_20 {strides = array<i32>} : memref<19200x128xf32, #tpu.memory_space<vmem>>, vector<19200x128xf32>,
    return
  }
  func.func @transform_0(%arg0: i32) -> (i32, i32) {
    %c0_i32 = arith.constant 0 : i32
    %c0_i32_0 = arith.constant 0 : i32
    return %c0_i32, %arg0 : i32, i32
  }
  func.func @transform_1(%arg0: i32) -> (i32, i32) {
    %c0_i32 = arith.constant 0 : i32
    %c0_i32_0 = arith.constant 0 : i32
    %c0_i32_1 = arith.constant 0 : i32
    return %c0_i32, %c0_i32_0 : i32, i32
  }
  func.func @transform_2(%arg0: i32) -> (i32, i32) {
    %c0_i32 = arith.constant 0 : i32
    %c0_i32_0 = arith.constant 0 : i32
    return %arg0, %c0_i32 : i32, i32
  }
}

module attributes {stable_mosaic.version = 14 : i64} {
  func.func @_pad_edge_body(%arg0: i32, %arg1: memref<8000x128xf32, #tpu.memory_space<vmem>>, %arg2: memref<320000x128xf32, #tpu.memory_space<any>>, %arg3: memref<8000x128xf32, #tpu.memory_space<vmem>>) attributes {dimension_semantics = [#tpu.dimension_semantics<arbitrary>], iteration_bounds = array<i64: 4>, scalar_prefetch = 0 : i64, scratch_operands = 0 : i64, tpu.core_type = #tpu.core_type<tc>, window_params = [{transform_indices = @transform_0, window_bounds = array<i64: 8000, 128>}, {}, {transform_indices = @transform_2, window_bounds = array<i64: 8000, 128>}]} {
    %get3A = arith.constant 0 : index
    %get3A_0 = arith.constant 0 : index
    %get3A_1 = vector.load %arg1[%get3A, %get3A_0] : memref<8000x128xf32, #tpu.memory_space<vmem>>, vector<8000x128xf32>
    %swap3A = arith.constant 0 : index
    %swap3A_2 = arith.constant 0 : index
    %swap3A_3 = vector.load %arg3[%swap3A, %swap3A_2] : memref<8000x128xf32, #tpu.memory_space<vmem>>, vector<8000x128xf32>
    tpu.vector_store %arg3[%swap3A, %swap3A_2], %get3A_1 {strides = array<i32>} : memref<8000x128xf32, #tpu.memory_space<vmem>>, vector<8000x128xf32>,
    return
  }
  func.func @transform_0(%arg0: i32) -> (i32, i32) {
    %c0_i32 = arith.constant 0 : i32
    %c0_i32_0 = arith.constant 0 : i32
    return %arg0, %c0_i32 : i32, i32
  }
  func.func @transform_2(%arg0: i32) -> (i32, i32) {
    %add3A = arith.constant 36 : i32
    %add3A_0 = arith.addi %add3A, %arg0 : i32
    %c0_i32 = arith.constant 0 : i32
    %c0_i32_1 = arith.constant 0 : i32
    return %add3A_0, %c0_i32 : i32, i32
  }
}

</mosaic_0001>

<sc_bundles>
// kernel: kernel.8.cloned.1.call-start
scs
__scs_entry_jumppad:
0x0: {  	(pc) =	sbr.rel $0x88, $3  }
0x1: {  	(tag) =	ssettag $0x0;
	lr =	simm.s32 $0x1  }
0x2: {  	[smem:$0x3F94] =	sst lr;
	_ =	strace $0xD0000000  }
0x3: {  	_ = 	snop  }
0x4: {  	_ = 	snop  }
0x5: {  	_ = 	snop  }
0x6: {  	_ = 	snop  }
0x7: {  	_ = 	snop  }
__scs_overlays_trampoline_lowered:
0x8: {  	[smem:$0x3FA3] =	sst s0  }
0x9: {  	[smem:$0x3FA4] =	sst s1  }
0xa: {  	[smem:$0x3FA5] =	sst s2  }
0xb: {  	[smem:$0x3FA6] =	sst s3  }
0xc: {  	[smem:$0x3FA7] =	sst s4  }
0xd: {  	[smem:$0x3FA8] =	sst s5  }
0xe: {  	[smem:$0x3FA9] =	sst s6  }
0xf: {  	[smem:$0x3FAA] =	sst s7  }
0x10: {  	[smem:$0x3FAB] =	sst s8  }
0x11: {  	[smem:$0x3FAC] =	sst s9;
	s0 =	simm.s32 @!p0 $0x0  }
0x12: {  	s1 =	sld [smem:$0x3F92];
	s0 =	simm.s32 @p0 $0x1  }
0x13: {  	[smem:$0x3FAD] =	sst s0;
	s0 =	simm.s32 @!p1 $0x0  }
0x14: {  	s2 =	sld [smem:$0x3F91];
	s0 =	simm.s32 @p1 $0x1  }
0x15: {  	[smem:$0x3FAE] =	sst s0;
	s0 =	simm.s32 @!p2 $0x0  }
0x16: {  	s3 =	sld [smem:$0x3FDB];
	s0 =	simm.s32 @p2 $0x1  }
0x17: {  	s4 =	simm.s32 $0x1BF5;
	[smem:$0x3FB0] =	sst s0  }
0x18: {  	s0 =	sld [smem:$0x3F93];
	_ =	swait.ge [sflag:s4], $0x0  }
0x19: {  	s7 =	sld [smem:$0x3F94]  }
0x1a: {  	s8 =	sadd.s32 $0xFFFFE003, lr  }
0x1b: {  	s9 =	sadd.s32 $0xFFFFFEF7, lr;
	s5 =	simm.s32 $0xFFFFFFFF;
	p2 =	slt.u32 s8, $0xFFFFF086  }
0x1c: {  	p1 =	slt.u32 s9, $0xF7A;
	s5 =	simm.s32 @!p2 $0x0  }
0x1d: {  	s5 =	simm.s32 @p1 $0x1;
	p0 =	seq.s32 s7, s2  }
0x1e: {  	s7 =	smul.u32 @!p0 $0xF7A, s2;
	p2 =	seq.s32 @!p0 s5, $0x0  }
0x1f: {  	s9 =	smul.u32 $0xF7A, s1;
	s8 =	simm.s32 @!p0 $0x1BF5;
	p2 =	por !p2, p0  }
0x20: {  	[sflag:s8] =	ssyncset.s32 @!p0 $0xFFFFF086;
	s6 =	sadd.s32 @!p0 s3, s7;
	s7 =	simm.s32 @!p0 $0x108  }
0x21: {  	s3 =	sadd.s32 s3, s9;
	s6 =	sadd.s32 @!p0 $0x88, s6;
	s7 =	simm.s32 @p2 $0x1082  }
0x22: {  	[simem:s7], [sflag:s8] =	dma.local @!p0 [hbm:s6], $0xF7A  }
0x23: {  	s9 =	sor.u32 $0xD0000000, s2;
	s6 =	simm.s32 $0x108;
	_ =	swait.ge @!p0 [sflag:s8], $0x0  }
0x24: {  	s3 =	sadd.s32 $0x88, s3;
	s6 =	simm.s32 @!p1 $0x1082;
	[sflag:s4] =	ssyncset.s32 $0xFFFFF086  }
0x25: {  	[simem:s6], [sflag:s4] =	dma.local [hbm:s3], $0xF7A  }
0x26: {  	[smem:$0x3F94] =	sst s1;
	(tag) =	ssettag s2;
	_ =	strace s9  }
0x27: {  	s1 =	sld [smem:$0x3FA4]  }
0x28: {  	s2 =	sld [smem:$0x3FA5]  }
0x29: {  	s4 =	sld [smem:$0x3FA7]  }
0x2a: {  	p0 =	seq.s32 s5, $0x0;
	s5 =	sld [smem:$0x3FA8]  }
0x2b: {  	s6 =	sld [smem:$0x3FA9]  }
0x2c: {  	s7 =	sld [smem:$0x3FAA]  }
0x2d: {  	s3 =	simm.s32 $0x108;
	s8 =	sld [smem:$0x3FAB]  }
0x2e: {  	s3 =	simm.s32 @!p0 $0x1082;
	s9 =	sld [smem:$0x3FAC]  }
0x2f: {  	lr =	sadd.s32 s0, s3;
	s0 =	sld [smem:$0x3FA3]  }
0x30: {  	s3 =	sld [smem:$0x3FA6]  }
0x31: {  	[smem:$0x3FAF] =	sst s10  }
0x32: {  	s10 =	sld [smem:$0x3FAD];
	_ =	sdelay $0x3  }
0x33: {  	p0 =	seq.s32 s10, $0x1;
	s10 =	sld [smem:$0x3FAF];
	_ =	sdelay $0x3  }
0x34: {  	[smem:$0x3FAF] =	sst s10  }
0x35: {  	s10 =	sld [smem:$0x3FAE];
	_ =	sdelay $0x3  }
0x36: {  	p1 =	seq.s32 s10, $0x1;
	s10 =	sld [smem:$0x3FAF];
	_ =	sdelay $0x3  }
0x37: {  	[smem:$0x3FAF] =	sst s10  }
0x38: {  	s10 =	sld [smem:$0x3FB0]  }
0x39: {  	_ = 	snop;
	(pc) =	sbr.ind lr, $3  }
0x3a: {  	_ = 	snop  }
0x3b: {  	_ = 	snop  }
0x3c: {  	p2 =	seq.s32 s10, $0x1;
	s10 =	sld [smem:$0x3FAF]  }
0x3d: {  	_ =	shalt  }
0x3e: {  	_ =	shalt  }
0x3f: {  	_ =	shalt  }
0x40: {  	_ =	shalt  }
0x41: {  	_ =	shalt  }
0x42: {  	_ =	shalt  }
0x43: {  	_ =	shalt  }
0x44: {  	_ =	shalt  }
0x45: {  	_ =	shalt  }
0x46: {  	_ =	shalt  }
0x47: {  	_ =	shalt  }
0x48: {  	_ =	shalt  }
0x49: {  	_ =	shalt  }
0x4a: {  	_ =	shalt  }
0x4b: {  	_ =	shalt  }
0x4c: {  	_ =	shalt  }
0x4d: {  	_ =	shalt  }
0x4e: {  	_ =	shalt  }
0x4f: {  	_ =	shalt  }
0x50: {  	_ =	shalt  }
0x51: {  	_ =	shalt  }
0x52: {  	_ =	shalt  }
0x53: {  	_ =	shalt  }
0x54: {  	_ =	shalt  }
0x55: {  	_ =	shalt  }
0x56: {  	_ =	shalt  }
0x57: {  	_ =	shalt  }
0x58: {  	_ =	shalt  }
0x59: {  	_ =	shalt  }
0x5a: {  	_ =	shalt  }
0x5b: {  	_ =	shalt  }
0x5c: {  	_ =	shalt  }
0x5d: {  	_ =	shalt  }
0x5e: {  	_ =	shalt  }
0x5f: {  	_ =	shalt  }
0x60: {  	_ =	shalt  }
0x61: {  	_ =	shalt  }
0x62: {  	_ =	shalt  }
0x63: {  	_ =	shalt  }
0x64: {  	_ =	shalt  }
0x65: {  	_ =	shalt  }
0x66: {  	_ =	shalt  }
0x67: {  	_ =	shalt  }
0x68: {  	_ =	shalt  }
0x69: {  	_ =	shalt  }
0x6a: {  	_ =	shalt  }
0x6b: {  	_ =	shalt  }
0x6c: {  	_ =	shalt  }
0x6d: {  	_ =	shalt  }
0x6e: {  	_ =	shalt  }
0x6f: {  	_ =	shalt  }
0x70: {  	_ =	shalt  }
0x71: {  	_ =	shalt  }
0x72: {  	_ =	shalt  }
0x73: {  	_ =	shalt  }
0x74: {  	_ =	shalt  }
0x75: {  	_ =	shalt  }
0x76: {  	_ =	shalt  }
0x77: {  	_ =	shalt  }
0x78: {  	_ =	shalt  }
0x79: {  	_ =	shalt  }
0x7a: {  	_ =	shalt  }
0x7b: {  	_ =	shalt  }
0x7c: {  	_ =	shalt  }
0x7d: {  	_ =	shalt  }
0x7e: {  	_ =	shalt  }
0x7f: {  	_ =	shalt  }
0x80: {  	_ =	shalt  }
0x81: {  	_ =	shalt  }
0x82: {  	_ =	shalt  }
0x83: {  	_ =	shalt  }
0x84: {  	_ =	shalt  }
0x85: {  	_ =	shalt  }
0x86: {  	_ =	shalt  }
0x87: {  	_ =	shalt  }
.Lfunc_end0:
.L_simem_size_0:
called_computation_lowered:
.L_overlay_start_0:
0x88: {  	s2 =	sld [smem:$0x3FD9]  }
0x89: {  	s3 =	sld [smem:$0x3FFE];
	_ =	sdelay $0x1  }
0x8a: {  	s1 =	srdreg.scid  }
0x8b: {  	s0 =	sand.u32 $0x1, s1  }
0x8c: {  	s16 =	sshll.u32 s0, $0xA;
	s2 =	sadd.s32 s3, s2  }
0x8d: {  	s2 =	sadd.s32 s2, s16  }
0x8e: {  	[smem:$0x3FBB] =	sst s2  }
0x8f: {  	_ = 	snop  }
0x90: {  	(tm) =	ssettm $0x1  }
0x91: {  	s17 =	sld [smem:$0x3FFB];
	_ =	sdelay $0x3  }
0x92: {  	_ =	strace s17  }
0x93: {  	s2 =	sld [smem:$0x3FFC];
	_ =	sdelay $0x3  }
0x94: {  	_ =	strace s2  }
0x95: {  	s2 =	sld [smem:$0x3FFD];
	_ =	sdelay $0x3  }
0x96: {  	_ =	strace s2  }
0x97: {  	_ =	strace $0x8FFFFFFF  }
0x98: {  	s18 =	sld [smem:$0x3FDB];
	_ =	sdelay $0x1  }
0x99: {  	s19 =	simm.s32 $_scs_section_size  }
0x9a: {  	s4 =	simm.s32 $_size__tile_overlayer_lowered;
	s5 =	simm.s32 $_tile_overlayer_lowered  }
0x9b: {  	s22 =	simm.s32 $0x1BFF;
	s21 =	sshll.u32 s5, $0x1;
	s2 =	sadd.s32 s19, s18  }
0x9c: {  	s6 =	simm.s32 $0x0;
	s20 =	sshll.u32 s4, $0x1;
	s4 =	sadd.s32 s21, s2  }
0x9d: {  	[timem:s6], [sflag:s22] =	dma.local [hbm:s4], s20  }
0x9e: {  	_ =	swait.ge [sflag:s22], s20  }
0x9f: {  	s3 =	ssub.s32 $0x0, s20;
	[sflag:s22] =	ssyncset.done $0x0  }
0xa0: {  	[sflag:s22] =	ssyncadd.s32 s3;
	_ =	sdelay $0x1  }
0xa1: {  	s23 =	simm.s32 $0x1B8B  }
0xa2: {  	_ =	swait.ge [sflag:s23], $0x1  }
0xa3: {  	[sflag:s23] =	ssyncset.done $0x0  }
0xa4: {  	s25 =	simm.s32 $0x1B8E;
	s24 =	sld [smem:$0x3FFE];
	[sflag:s23] =	ssyncadd.s32 $0xFFFFFFFF  }
0xa5: {  	s26 =	simm.s32 $execute0_lowered;
	[smem:$0x3FD2] =	sst s25  }
0xa6: {  	s4 =	sshll.u32 s26, $0x1;
	_ =	strace $0x80000046;
	[dreg:$0x1] =	wrdreg $0xFFFFFFFF  }
0xa7: {  	s28 =	simm.s32 $_size_execute0_lowered;
	s2 =	sadd.s32 s2, s4;
	[dreg:$0x0] =	wrdreg $0x0  }
0xa8: {  	s4 =	sshll.u32 s28, $0x1;
	[dreg:$0x2] =	wrdreg s2  }
0xa9: {  	[dreg:$0x3] =	wrdreg s4  }
0xaa: {  	[dreg:$0x4] =	wrdreg $0xC0  }
0xab: {  	_ =	task [dreg:s6], $0x5FFFF  }
0xac: {  	[dreg:$0x1] =	wrdreg $0xFFFFFFFF  }
0xad: {  	[dreg:$0x0] =	wrdreg $0x60  }
0xae: {  	[dreg:$0x2] =	wrdreg s24  }
0xaf: {  	[dreg:$0x3] =	wrdreg $0x9  }
0xb0: {  	_ =	task.clear_ibuf [dreg:s6], $0x4FFFF;
	_ =	strace $0x90000046  }
0xb1: {  	s29 =	simm.s32 $0x9;
	_ =	strace $0x80000048  }
0xb2: {  	_ =	swait.ge [sflag:s29], $0x1  }
0xb3: {  	[sflag:s29] =	ssyncadd.s32 $0xFFFFFFFF  }
0xb4: {  	_ =	strace $0x90000048  }
0xb5: {  	_ =	sfence  }
0xb6: {  	s30 =	sld [smem:$0x0];
	_ =	sdelay $0x2  }
0xb7: {  	s31 =	sshll.u32 s1, $0xD;
	s1 =	sshrl.u32 s1, $0x2  }
0xb8: {  	s3 =	sand.u32 $0x4000, s31;
	s1 =	sadd.s32 s1, s30  }
0xb9: {  	s0 =	sor.u32 s3, s0;
	s1 =	sshll.u32 s1, $0x11  }
0xba: {  	s0 =	sor.u32 s1, s0  }
0xbb: {  	s0 =	sadd.s32 $0x8F2B, s0  }
0xbc: {  	[sflag:s0] =	ssyncadd.remote.s32 $0x1  }
0xbd: {  	_ =	sfence.sel $0xFFFF  }
0xbe: {  	[dreg:$0x0] =	wrdreg $0xFFFFFFFF;
	(pc) =	sbr.abs _section_cstart, $3  }
0xbf: {  	[dreg:$0x1] =	wrdreg $0xFFFFFFFF  }
0xc0: {  	_ =	task.clear_ibuf [dreg:s6], $0x2FFFF;
	_ =	strace $0x9FFFFFFF  }
0xc1: {  	(tm) =	ssettm $0x7FFFFFFF  }
tec
execute0_lowered:
.L_overlay_start_1:
0x0: {  	(tag) =	ssettag $0x1  }
0x1: {  	s5 =	rddreg [dreg:$0x0]  }
0x2: {  	s0 =	rddreg [dreg:$0x1];
	s2 =	simm.s32 $0x0  }
0x3: {  	s3 =	srdreg.scid;
	s1 =	stileid.u32;
	s15 =	simm.s32 $0x400  }
0x4: {  	s16 =	simm.s32 $0x10000;
	s17 =	simm.s32 $0x1;
	s18 =	simm.s32 $0x1F0  }
0x5: {  	s19 =	simm.s32 $0x0;
	[smem:$0x7FF] =	sst s2;
	s6 =	sand.u32 $0x1, s3  }
0x6: {  	s7 =	sshll.u32 s1, $0x1;
	s3 =	sadd.s32 $0x3C00, s5;
	s4 =	sadd.s32 $0x2AE00, s5  }
0x7: {  	s8 =	sadd.s32 $0x2C00, s5;
	s10 =	sadd.s32 $0x1C00, s5;
	s7 =	sor.u32 s6, s7  }
0x8: {  	s11 =	sadd.s32 $0x52000, s5;
	s6 =	ssub.s32 $0x2, s6;
	s9 =	smul.u32 $0x3E8, s7  }
0x9: {  	_ =	strace $0x80000047;
	s30 =	sshrl.u32 s6, $0x1;
	s7 =	smul.u32 $0x3E80, s7  }
0xa: {  	s12 =	ssub.s32 s6, s30;
	s31 =	sshrl.u32 s9, $0x3;
	s9 =	sadd.s32 $0x1F8, s9  }
0xb: {  	s7 =	sadd.s32 s11, s7;
	s5 =	sadd.s32 s8, s31;
	s13 =	sshrl.u32 s9, $0x3  }
0xc: {  	s6 =	sadd.s32 s10, s31;
	s14 =	sshll.u32 s9, $0x4;
	s8 =	sadd.s32 s8, s13  }
0xd: {  	s9 =	sadd.s32 s10, s13;
	s10 =	sadd.s32 s11, s14;
	s11 =	smax.u32 s12, $0x1  }
0xe: {  	s12 =	simm.s32 $0x2;
	s13 =	simm.s32 $0x200;
	s14 =	simm.s32 $0x1F8  }
.LBB2_1:
0xf: {  	[tilespmem:s2], [sflag:$0x2] =	stream.linear.gather [hbm4b:s5+s2], $0x1F8, $0x38;
	[tilespmem:$0x1FC00] =	vst v63  }
0x10: {  	_ =	swait.ge [sflag:s12], $0x1F8  }
0x11: {  	[sflag:s12] =	ssyncset.done $0x0  }
0x12: {  	[sflag:s12] =	ssyncadd.s32 $0xFFFFFE08  }
0x13: {  	[tilespmem:s13], [sflag:$0x2] =	stream.linear.gather [hbm4b:s6+s2], $0x1F8, $0x38;
	[tilespmem:$0x1FC00] =	vst v63  }
0x14: {  	_ =	swait.ge [sflag:s12], $0x1F8  }
0x15: {  	[sflag:s12] =	ssyncset.done $0x0  }
0x16: {  	[sflag:s12] =	ssyncadd.s32 $0xFFFFFE08  }
0x17: {  	[tilespmem:s15], [sflag:$0x1] =	stream.indirect.gather [hbm4b:s3+s14], $0x80, s2, s14, $0xb8;
	[tilespmem:$0x1FC00] =	vst v63  }
0x18: {  	_ = 	snop  }
0x19: {  	[tilespmem:s16], [sflag:$0x1] =	stream.indirect.gather [hbm4b:s4+s14], $0x80, s13, s14, $0xb8;
	[tilespmem:$0x1FC00] =	vst v63  }
0x1a: {  	_ =	swait.ge [sflag:s17], $0xFC00  }
0x1b: {  	[sflag:s17] =	ssyncset.done $0x0  }
0x1c: {  	[sflag:s17] =	ssyncadd.s32 $0xFFFF0400  }
0x1d: {  	_ =	swait.ge [sflag:s17], $0xFC00  }
0x1e: {  	[sflag:s17] =	ssyncset.done $0x0  }
0x1f: {  	s20 =	simm.s32 $0x0;
	[sflag:s17] =	ssyncadd.s32 $0xFFFF0400  }
0x20: {  	v7 =	vld [tilespmem:s20+$0x10000]  }
0x21: {  	v11 =	vld [tilespmem:s20+$0x10010]  }
0x22: {  	v5 =	vld [tilespmem:s20+$0x10020]  }
0x23: {  	v4 =	vld [tilespmem:s20+$0x10030]  }
0x24: {  	v3 =	vld [tilespmem:s20+$0x10040]  }
0x25: {  	v2 =	vld [tilespmem:s20+$0x10050]  }
0x26: {  	v1 =	vld [tilespmem:s20+$0x10060]  }
0x27: {  	v0 =	vld [tilespmem:s20+$0x10070]  }
0x28: {  	v12 =	vld [tilespmem:s20+$0x400]  }
0x29: {  	v13 =	vld [tilespmem:s20+$0x410]  }
0x2a: {  	v10 =	vld [tilespmem:s20+$0x420]  }
0x2b: {  	v9 =	vld [tilespmem:s20+$0x430]  }
0x2c: {  	v8 =	vld [tilespmem:s20+$0x440]  }
0x2d: {  	v6 =	vld [tilespmem:s20+$0x450];
	v12 =	vadd.f32 v7, v12  }
0x2e: {  	s21 =	simm.s32 $0x200;
	v11 =	vadd.f32 v11, v13;
	v7 =	vld [tilespmem:s20+$0x460]  }
.LBB2_2:
0x2f: {  	s22 =	sshra.s32 s21, $0x2;
	p0 =	sne.s32 s21, $0x3EE00;
	[tilespmem:s20+$0x400] =	vst v12;
	v5 =	vadd.f32 v5, v10;
	v10 =	vld [tilespmem:s20+$0x470]  }
0x30: {  	v12 =	vld [tilespmem:s22+$0x10000];
	[tilespmem:s20+$0x410] =	vst v11;
	v4 =	vadd.f32 v4, v9  }
0x31: {  	v11 =	vld [tilespmem:s22+$0x10010];
	[tilespmem:s20+$0x420] =	vst v5;
	v3 =	vadd.f32 v3, v8  }
0x32: {  	v5 =	vld [tilespmem:s22+$0x10020];
	[tilespmem:s20+$0x430] =	vst v4;
	v2 =	vadd.f32 v2, v6  }
0x33: {  	v4 =	vld [tilespmem:s22+$0x10030];
	[tilespmem:s20+$0x440] =	vst v3;
	v1 =	vadd.f32 v1, v7  }
0x34: {  	v3 =	vld [tilespmem:s22+$0x10040];
	[tilespmem:s20+$0x450] =	vst v2;
	v0 =	vadd.f32 v0, v10  }
0x35: {  	v2 =	vld [tilespmem:s22+$0x10050];
	[tilespmem:s20+$0x460] =	vst v1  }
0x36: {  	v1 =	vld [tilespmem:s22+$0x10060];
	[tilespmem:s20+$0x470] =	vst v0;
	s20 =	smov.u32 s22  }
0x37: {  	v0 =	vld [tilespmem:s20+$0x10070]  }
0x38: {  	v6 =	vld [tilespmem:s20+$0x400]  }
0x39: {  	v7 =	vld [tilespmem:s20+$0x410]  }
.Ltmp0:
0x3a: {  	v10 =	vld [tilespmem:s20+$0x420];
	(pc) =	sbr.rel @p0 .LBB2_2-.Ltmp0, $4  }
0x3b: {  	v9 =	vld [tilespmem:s20+$0x430]  }
0x3c: {  	v8 =	vld [tilespmem:s20+$0x440]  }
0x3d: {  	v12 =	vadd.f32 v12, v6;
	v6 =	vld [tilespmem:s20+$0x450]  }
0x3e: {  	s21 =	sadd.s32 $0x200, s21;
	v11 =	vadd.f32 v11, v7;
	v7 =	vld [tilespmem:s20+$0x460]  }
0x3f: {  	[tilespmem:s20+$0x400] =	vst v12;
	v5 =	vadd.f32 v5, v10;
	v10 =	vld [tilespmem:s20+$0x470]  }
0x40: {  	[tilespmem:s20+$0x410] =	vst v11;
	v4 =	vadd.f32 v4, v9  }
0x41: {  	[tilespmem:s20+$0x420] =	vst v5;
	v3 =	vadd.f32 v3, v8  }
0x42: {  	[tilespmem:s20+$0x430] =	vst v4;
	v2 =	vadd.f32 v2, v6  }
0x43: {  	[tilespmem:s20+$0x440] =	vst v3;
	v1 =	vadd.f32 v1, v7  }
0x44: {  	[tilespmem:s20+$0x450] =	vst v2;
	v0 =	vadd.f32 v0, v10  }
0x45: {  	[tilespmem:s20+$0x460] =	vst v1  }
0x46: {  	s31 =	simm.s32 $0x0;
	[tilespmem:s20+$0x470] =	vst v0  }
0x47: {  	[hbm4b:s7+s31] =	stream.linear.scatter [tilespmem:s15], [sflag:$0x2], $0xFC00, $0x38;
	[tilespmem:$0x1FC00] =	vst v63  }
0x48: {  	_ =	swait.ge [sflag:s12], $0xFC00  }
0x49: {  	[sflag:s12] =	ssyncset.done $0x0  }
0x4a: {  	[sflag:s12] =	ssyncadd.s32 $0xFFFF0400  }
0x4b: {  	[tilespmem:s31], [sflag:$0x2] =	stream.linear.gather [hbm4b:s8+s31], $0x1F0, $0x38;
	[tilespmem:$0x1FC00] =	vst v63  }
0x4c: {  	_ =	swait.ge [sflag:s12], $0x1F0  }
0x4d: {  	[sflag:s12] =	ssyncset.done $0x0  }
0x4e: {  	[sflag:s12] =	ssyncadd.s32 $0xFFFFFE10  }
0x4f: {  	[tilespmem:s13], [sflag:$0x2] =	stream.linear.gather [hbm4b:s9+s31], $0x1F0, $0x38;
	[tilespmem:$0x1FC00] =	vst v63  }
0x50: {  	_ =	swait.ge [sflag:s12], $0x1F0  }
0x51: {  	[sflag:s12] =	ssyncset.done $0x0  }
0x52: {  	[sflag:s12] =	ssyncadd.s32 $0xFFFFFE10  }
0x53: {  	[tilespmem:s15], [sflag:$0x1] =	stream.indirect.gather [hbm4b:s3+s18], $0x80, s31, s18, $0xb8;
	[tilespmem:$0x1FC00] =	vst v63  }
0x54: {  	_ = 	snop  }
0x55: {  	[tilespmem:s16], [sflag:$0x1] =	stream.indirect.gather [hbm4b:s4+s18], $0x80, s13, s18, $0xb8;
	[tilespmem:$0x1FC00] =	vst v63  }
0x56: {  	_ =	swait.ge [sflag:s17], $0xF800  }
0x57: {  	[sflag:s17] =	ssyncset.done $0x0  }
0x58: {  	[sflag:s17] =	ssyncadd.s32 $0xFFFF0800  }
0x59: {  	_ =	swait.ge [sflag:s17], $0xF800  }
0x5a: {  	[sflag:s17] =	ssyncset.done $0x0  }
0x5b: {  	s20 =	simm.s32 $0x0;
	[sflag:s17] =	ssyncadd.s32 $0xFFFF0800  }
0x5c: {  	v7 =	vld [tilespmem:s20+$0x10000]  }
0x5d: {  	v11 =	vld [tilespmem:s20+$0x10010]  }
0x5e: {  	v5 =	vld [tilespmem:s20+$0x10020]  }
0x5f: {  	v4 =	vld [tilespmem:s20+$0x10030]  }
0x60: {  	v3 =	vld [tilespmem:s20+$0x10040]  }
0x61: {  	v2 =	vld [tilespmem:s20+$0x10050]  }
0x62: {  	v1 =	vld [tilespmem:s20+$0x10060]  }
0x63: {  	v0 =	vld [tilespmem:s20+$0x10070]  }
0x64: {  	v12 =	vld [tilespmem:s20+$0x400]  }
0x65: {  	v13 =	vld [tilespmem:s20+$0x410]  }
0x66: {  	v10 =	vld [tilespmem:s20+$0x420]  }
0x67: {  	v9 =	vld [tilespmem:s20+$0x430]  }
0x68: {  	v8 =	vld [tilespmem:s20+$0x440]  }
0x69: {  	v6 =	vld [tilespmem:s20+$0x450];
	v12 =	vadd.f32 v7, v12  }
0x6a: {  	s21 =	simm.s32 $0x200;
	v11 =	vadd.f32 v11, v13;
	v7 =	vld [tilespmem:s20+$0x460]  }
.LBB2_4:
0x6b: {  	s22 =	sshra.s32 s21, $0x2;
	p0 =	sne.s32 s21, $0x3DE00;
	[tilespmem:s20+$0x400] =	vst v12;
	v5 =	vadd.f32 v5, v10;
	v10 =	vld [tilespmem:s20+$0x470]  }
0x6c: {  	v12 =	vld [tilespmem:s22+$0x10000];
	[tilespmem:s20+$0x410] =	vst v11;
	v4 =	vadd.f32 v4, v9  }
0x6d: {  	v11 =	vld [tilespmem:s22+$0x10010];
	[tilespmem:s20+$0x420] =	vst v5;
	v3 =	vadd.f32 v3, v8  }
0x6e: {  	v5 =	vld [tilespmem:s22+$0x10020];
	[tilespmem:s20+$0x430] =	vst v4;
	v2 =	vadd.f32 v2, v6  }
0x6f: {  	v4 =	vld [tilespmem:s22+$0x10030];
	[tilespmem:s20+$0x440] =	vst v3;
	v1 =	vadd.f32 v1, v7  }
0x70: {  	v3 =	vld [tilespmem:s22+$0x10040];
	[tilespmem:s20+$0x450] =	vst v2;
	v0 =	vadd.f32 v0, v10  }
0x71: {  	v2 =	vld [tilespmem:s22+$0x10050];
	[tilespmem:s20+$0x460] =	vst v1  }
0x72: {  	v1 =	vld [tilespmem:s22+$0x10060];
	[tilespmem:s20+$0x470] =	vst v0;
	s20 =	smov.u32 s22  }
0x73: {  	v0 =	vld [tilespmem:s20+$0x10070]  }
0x74: {  	v6 =	vld [tilespmem:s20+$0x400]  }
0x75: {  	v7 =	vld [tilespmem:s20+$0x410]  }
.Ltmp1:
0x76: {  	v10 =	vld [tilespmem:s20+$0x420];
	(pc) =	sbr.rel @p0 .LBB2_4-.Ltmp1, $4  }
0x77: {  	v9 =	vld [tilespmem:s20+$0x430]  }
0x78: {  	v8 =	vld [tilespmem:s20+$0x440]  }
0x79: {  	v12 =	vadd.f32 v12, v6;
	v6 =	vld [tilespmem:s20+$0x450]  }
0x7a: {  	s21 =	sadd.s32 $0x200, s21;
	v11 =	vadd.f32 v11, v7;
	v7 =	vld [tilespmem:s20+$0x460]  }
0x7b: {  	[tilespmem:s20+$0x400] =	vst v12;
	v5 =	vadd.f32 v5, v10;
	v63 =	vld [tilespmem:s20+$0x470]  }
0x7c: {  	[tilespmem:s20+$0x410] =	vst v11;
	v4 =	vadd.f32 v4, v9  }
0x7d: {  	[tilespmem:s20+$0x420] =	vst v5;
	v3 =	vadd.f32 v3, v8  }
0x7e: {  	[tilespmem:s20+$0x430] =	vst v4;
	v2 =	vadd.f32 v2, v6  }
0x7f: {  	[tilespmem:s20+$0x440] =	vst v3;
	v1 =	vadd.f32 v1, v7  }
0x80: {  	s19 =	sadd.s32 $0x1, s19;
	[tilespmem:s20+$0x450] =	vst v2;
	v0 =	vadd.f32 v0, v63  }
0x81: {  	p0 =	sne.s32 s19, s11;
	[tilespmem:s20+$0x460] =	vst v1  }
.Ltmp2:
0x82: {  	[tilespmem:s20+$0x470] =	vst v0;
	(pc) =	sbr.rel @p0 .LBB2_1-.Ltmp2, $4  }
0x83: {  	[hbm4b:s10+s2] =	stream.linear.scatter [tilespmem:s15], [sflag:$0x2], $0xF800, $0x38;
	[tilespmem:$0x1FC00] =	vst v63  }
0x84: {  	_ =	swait.ge [sflag:s12], $0xF800  }
0x85: {  	[sflag:s12] =	ssyncset.done $0x0  }
0x86: {  	[sflag:s12] =	ssyncadd.s32 $0xFFFF0800  }
0x87: {  	_ =	sfence.sel $0x180000  }
0x88: {  	[bflag:$0x0] =	sbarrier.arrive $0xFFFF  }
0x89: {  	p0 =	sne.s32 s1, $0x0;
	_ =	strace $0x90000047  }
0x8a: {  	s0 =	sadd.s32 @!p0 $0x100000, s0;
	[bflag:$0x2] =	sbarrier.arrive $0xFFFF  }
0x8b: {  	[sflag:s0] =	ssyncadd.tile.s32 @!p0 $0x1;
	_ =	shalt  }
.Lfunc_end2:
_tile_overlayer_lowered:
.L_overlay_start_2:
0x8c: {  	(tag) =	ssettag $0x2  }
0x8d: {  	s0 =	rddreg [dreg:$0x0];
	s2 =	stileid.u32  }
0x8e: {  	s1 =	rddreg [dreg:$0x1];
	p0 =	sne.s32 s2, $0x0  }
0x8f: {  	s3 =	rddreg [dreg:$0x2];
	[bflag:$0x3] =	sbarrier.arrive $0xFFFF;
	s2 =	simm.s32 @!p0 $0x1C02  }
0x90: {  	[timem:s3], [sflag:s2] =	dma.local @!p0 [hbm:s0], s1  }
0x91: {  	s0 =	simm.s32 @!p0 $0x2  }
0x92: {  	_ =	swait.ge @!p0 [sflag:s0], s1  }
0x93: {  	s1 =	ssub.s32 @!p0 $0x0, s1;
	[sflag:s0] =	ssyncset.done @!p0 $0x0  }
0x94: {  	[sflag:s0] =	ssyncadd.s32 @!p0 s1  }
0x95: {  	[bflag:$0x3] =	sbarrier.arrive $0xFFFF  }
0x96: {  	_ =	shalt  }

</sc_bundles>
